<compile_context>
chip_gen: v7x
topology: tpu7x:2x2x1
jax: 0.10.2.dev20260603
libtpu: 0.0.44.dev20260713+nightly
codegen_flags: <defaults>
</compile_context>

<pallas_src>
import functools

import jax
import jax.numpy as jnp
from jax import lax
from jax.experimental import pallas as pl
from jax.experimental.pallas import tpu as pltpu
from jax.experimental.pallas import tpu_sc as plsc
from jax.experimental.layout import Layout as _Layout
from jax.experimental.layout import with_layout_constraint as _with_layout

_V = 1000000
_D = 64
_L = 200
_B = 4096
_DP = 8
_H = 104
_LP = 2 * _H

_PACK = 128 // _DP
_VW = _V // _PACK
_PROJ_BLK = 512


def _proj_body(e_ref, g_ref, out_ref):
    ew = e_ref[...].reshape(_PROJ_BLK, _PACK * _D)
    out_ref[...] = jnp.dot(ew, g_ref[...], preferred_element_type=jnp.float32)


def _project(emb, wp):
    e3 = emb.reshape(_VW, _PACK, _D)
    g = jnp.kron(jnp.eye(_PACK, dtype=jnp.float32), wp)
    return pl.pallas_call(
        _proj_body,
        grid=((_VW + _PROJ_BLK - 1) // _PROJ_BLK,),
        in_specs=[
            pl.BlockSpec((_PROJ_BLK, _PACK, _D), lambda i: (i, 0, 0)),
            pl.BlockSpec((_PACK * _D, 128), lambda i: (0, 0)),
        ],
        out_specs=pl.BlockSpec((_PROJ_BLK, 128), lambda i: (i, 0)),
        out_shape=jax.ShapeDtypeStruct((_VW, 128), jnp.float32),
    )(e3, g)


@functools.cache
def _make_sc_pool():
    info = plsc.get_sparse_core_info()
    nc, ns = info.num_cores, info.num_subcores
    nw = nc * ns
    bpw = _B // nw
    mesh = plsc.VectorSubcoreMesh(core_axis_name="c", subcore_axis_name="s")

    @functools.partial(
        pl.kernel, mesh=mesh,
        out_type=jax.ShapeDtypeStruct((_B, _DP), jnp.float32),
        compiler_params=pltpu.CompilerParams(use_tc_tiling_on_sc=False),
        scratch_types=[
            pltpu.VMEM((bpw, 2, _H), jnp.int32),
            pltpu.VMEM((bpw, 2, _H), jnp.int32),
            pltpu.VMEM((2, _LP, _DP), jnp.float32),
            pltpu.VMEM_SHARED((ns * bpw + 8, _DP), jnp.float32),
            pltpu.SemaphoreType.DMA,
            pltpu.SemaphoreType.DMA,
            pltpu.SemaphoreType.DMA,
            pltpu.SemaphoreType.DMA,
        ],
    )
    def pool(p_hbm, xp_hbm, slots_hbm, zero_hbm, out_hbm,
             idx_v, slot_v, rows_v, acc_sh,
             gsem0, gsem1, ssem0, ssem1):
        cid = lax.axis_index("c")
        sid = lax.axis_index("s")
        wid = sid * nc + cid
        base = wid * bpw
        pltpu.sync_copy(xp_hbm.at[pl.ds(base, bpw)], idx_v)
        pltpu.sync_copy(slots_hbm.at[pl.ds(base, bpw)], slot_v)
        pltpu.sync_copy(zero_hbm, acc_sh.at[pl.ds(sid * bpw, bpw)])

        gsems = (gsem0, gsem1)
        ssems = (ssem0, ssem1)

        def gathers(r, buf):
            sem = gsems[buf]
            c0 = pltpu.make_async_copy(
                p_hbm.at[idx_v.at[r, 0]], rows_v.at[buf, pl.ds(0, _H)], sem)
            c1 = pltpu.make_async_copy(
                p_hbm.at[idx_v.at[r, 1]], rows_v.at[buf, pl.ds(_H, _H)], sem)
            return c0, c1

        def scatters(r, buf):
            sem = ssems[buf]
            c0 = pltpu.make_async_copy(
                rows_v.at[buf, pl.ds(0, _H)], acc_sh.at[slot_v.at[r, 0]], sem)
            c1 = pltpu.make_async_copy(
                rows_v.at[buf, pl.ds(_H, _H)], acc_sh.at[slot_v.at[r, 1]], sem)
            return c0, c1

        def start(cs, add=False):
            for c in cs:
                c.start(add=add)

        def wait(cs):
            for c in cs:
                c.wait()

        start(gathers(0, 0))
        start(gathers(1, 1))

        def pair_body(i, carry):
            r0 = 2 * i
            r1 = r0 + 1
            wait(gathers(r0, 0))
            start(scatters(r0, 0), add=True)
            wait(scatters(r0, 0))
            start(gathers(jnp.minimum(r0 + 2, bpw - 1), 0))
            wait(gathers(r1, 1))
            start(scatters(r1, 1), add=True)
            wait(scatters(r1, 1))
            start(gathers(jnp.minimum(r1 + 2, bpw - 1), 1))
            return carry

        lax.fori_loop(0, bpw // 2, pair_body, 0)
        wait(gathers(bpw - 1, 0))
        wait(gathers(bpw - 1, 1))
        pltpu.sync_copy(acc_sh.at[pl.ds(sid * bpw, bpw)],
                        out_hbm.at[pl.ds(base, bpw)])

    return pool


def kernel(x, emb_table, W, b):
    wp = jnp.zeros((_D, _DP), jnp.float32).at[:, :2].set(W.T * (1.0 / _L))
    p128 = _project(emb_table, wp)
    p = _with_layout(p128.reshape(_V, _DP), _Layout((0, 1)))
    xi = x.astype(jnp.int32)
    xp = jnp.pad(xi, ((0, 0), (0, _LP - _L))).reshape(_B, 2, _H)
    binfo = jnp.arange(_B, dtype=jnp.int32)
    slot = (binfo // (2 * 128)) * 128 + binfo % 128
    slots = jnp.broadcast_to(slot[:, None], (_B, _LP))
    lpos = jnp.arange(_LP, dtype=jnp.int32)[None, :]
    slots = jnp.where(lpos < _L, slots, 16 * 128).reshape(_B, 2, _H)
    zero = jnp.zeros((_B // 32, _DP), jnp.float32)
    out_pad = _make_sc_pool()(p, xp, slots, zero)
    return out_pad[:, :2] + b

# --- scband reference (transcript-rebuilt; emitter-appended) ---
"""Pipeline reference for scband-torch-fast-text-10840497455447 (READ-ONLY COPY).

The authoritative reference and input builder live on the scoring server;
editing this copy changes nothing except your own understanding.
"""

import jax, jax.numpy as jnp
import numpy as np

MAX_FEATURES = 1000000
EMBED_DIM = 64
MAXLEN = 200
NUM_CLASSES = 2
BATCH = 4096


def setup_inputs(seed: int = 0) -> dict:
    key = jax.random.key(seed)
    k1, k2, k3, k4 = jax.random.split(key, 4)
    x = jax.random.randint(k1, (BATCH, MAXLEN), 0, MAX_FEATURES, dtype=jnp.int64 if jax.config.jax_enable_x64 else jnp.int32)
    emb_table = jax.random.normal(k2, (MAX_FEATURES, EMBED_DIM), dtype=jnp.float32)
    W = jax.random.normal(k3, (NUM_CLASSES, EMBED_DIM), dtype=jnp.float32) * (1.0 / np.sqrt(EMBED_DIM))
    b = jax.random.normal(k4, (NUM_CLASSES,), dtype=jnp.float32) * 0.01
    return {"x": x, "emb_table": emb_table, "W": W, "b": b}


def reference(x, emb_table, W, b):
    # embedding lookup: [B, L, D]
    embedded = jnp.take(emb_table, x, axis=0)
    # avg_pool2d over full sequence length == mean over axis 1
    pooled = jnp.mean(embedded, axis=1)
    # linear layer
    predicted = pooled @ W.T + b
    return predicted

if __name__ == "__main__":
    import jax
    _d = setup_inputs()
    print(jax.jit(kernel)(*tuple(_d.values())))

</pallas_src>

<mosaic_0001>
#map = affine_map<(d0, d1) -> (0, 0)>
#map1 = affine_map<(d0, d1) -> (0, 0, 0)>
module attributes {stable_mosaic.version = 14 : i64} {
  func.func @pool(%arg0: i32, %arg1: i32, %arg2: memref<1000000x8xf32, #tpu.memory_space<hbm>>, %arg3: memref<4096x2x104xi32, #tpu.memory_space<hbm>>, %arg4: memref<4096x2x104xi32, #tpu.memory_space<hbm>>, %arg5: memref<128x8xf32, #tpu.memory_space<hbm>>, %arg6: memref<4096x8xf32, #tpu.memory_space<hbm>>, %arg7: memref<128x2x104xi32, #tpu.memory_space<vmem>>, %arg8: memref<128x2x104xi32, #tpu.memory_space<vmem>>, %arg9: memref<2x208x8xf32, #tpu.memory_space<vmem>>, %arg10: memref<2056x8xf32, #tpu.memory_space<vmem_shared>>, %arg11: memref<!tpu.dma_semaphore, #tpu.memory_space<semaphore_mem>>, %arg12: memref<!tpu.dma_semaphore, #tpu.memory_space<semaphore_mem>>, %arg13: memref<!tpu.dma_semaphore, #tpu.memory_space<semaphore_mem>>, %arg14: memref<!tpu.dma_semaphore, #tpu.memory_space<semaphore_mem>>) attributes {dimension_semantics = [#tpu.dimension_semantics<core_parallel>, #tpu.dimension_semantics<subcore_parallel>], iteration_bounds = array<i64: 2, 16>, scalar_prefetch = 0 : i64, scratch_operands = 8 : i64, tpu.core_type = #tpu.core_type<sc_vector_subcore>, window_params = [{transform_indices = #map}, {transform_indices = #map1}, {transform_indices = #map1}, {transform_indices = #map}, {transform_indices = #map}]} {
    %mul3A = arith.constant 2 : i32
    %mul3A_0 = arith.muli %arg1, %mul3A : i32
    %add3A = arith.addi %mul3A_0, %arg0 : i32
    %mul3A_1 = arith.constant 128 : i32
    %mul3A_2 = arith.muli %add3A, %mul3A_1 : i32
    "tpu.region"() ({
      %run_scoped3A = tpu.sem_alloc : memref<!tpu.dma_semaphore, #tpu.memory_space<semaphore_mem>>
      %dma_start3A_114 = arith.constant 0 : i32
      %dma_start3A_115 = arith.constant 0 : i32
      %dma_start3A_116 = tpu.memref_slice %arg3[%mul3A_2, %dma_start3A_114, %dma_start3A_115] : memref<4096x2x104xi32, #tpu.memory_space<hbm>> -> memref<128x2x104xi32, #tpu.memory_space<hbm>>
      %dma_start3A_117 = arith.constant 0 : i32
      %dma_start3A_118 = arith.constant 0 : i32
      %dma_start3A_119 = tpu.memref_slice %arg3[%mul3A_2, %dma_start3A_117, %dma_start3A_118] : memref<4096x2x104xi32, #tpu.memory_space<hbm>> -> memref<128x2x104xi32, #tpu.memory_space<hbm>>
      tpu.enqueue_dma source(%dma_start3A_119 : memref<128x2x104xi32, #tpu.memory_space<hbm>>) target(%arg7 : memref<128x2x104xi32, #tpu.memory_space<vmem>>) target_semaphore(%run_scoped3A : memref<!tpu.dma_semaphore, #tpu.memory_space<semaphore_mem>>)
      %dma_wait3A_120 = arith.constant 0 : i32
      %dma_wait3A_121 = arith.constant 0 : i32
      %dma_wait3A_122 = tpu.memref_slice %arg3[%mul3A_2, %dma_wait3A_120, %dma_wait3A_121] : memref<4096x2x104xi32, #tpu.memory_space<hbm>> -> memref<128x2x104xi32, #tpu.memory_space<hbm>>
      %dma_wait3A_123 = arith.constant 0 : i32
      %dma_wait3A_124 = arith.constant 0 : i32
      %dma_wait3A_125 = tpu.memref_slice %arg3[%mul3A_2, %dma_wait3A_123, %dma_wait3A_124] : memref<4096x2x104xi32, #tpu.memory_space<hbm>> -> memref<128x2x104xi32, #tpu.memory_space<hbm>>
      tpu.wait_dma2 semaphore(%run_scoped3A : memref<!tpu.dma_semaphore, #tpu.memory_space<semaphore_mem>>) src(%dma_wait3A_125 : memref<128x2x104xi32, #tpu.memory_space<hbm>>) dst(%arg7 : memref<128x2x104xi32, #tpu.memory_space<vmem>>)
      tpu.yield
    }) : () -> ()
    "tpu.region"() ({
      %run_scoped3A = tpu.sem_alloc : memref<!tpu.dma_semaphore, #tpu.memory_space<semaphore_mem>>
      %dma_start3A_114 = arith.constant 0 : i32
      %dma_start3A_115 = arith.constant 0 : i32
      %dma_start3A_116 = tpu.memref_slice %arg4[%mul3A_2, %dma_start3A_114, %dma_start3A_115] : memref<4096x2x104xi32, #tpu.memory_space<hbm>> -> memref<128x2x104xi32, #tpu.memory_space<hbm>>
      %dma_start3A_117 = arith.constant 0 : i32
      %dma_start3A_118 = arith.constant 0 : i32
      %dma_start3A_119 = tpu.memref_slice %arg4[%mul3A_2, %dma_start3A_117, %dma_start3A_118] : memref<4096x2x104xi32, #tpu.memory_space<hbm>> -> memref<128x2x104xi32, #tpu.memory_space<hbm>>
      tpu.enqueue_dma source(%dma_start3A_119 : memref<128x2x104xi32, #tpu.memory_space<hbm>>) target(%arg8 : memref<128x2x104xi32, #tpu.memory_space<vmem>>) target_semaphore(%run_scoped3A : memref<!tpu.dma_semaphore, #tpu.memory_space<semaphore_mem>>)
      %dma_wait3A_120 = arith.constant 0 : i32
      %dma_wait3A_121 = arith.constant 0 : i32
      %dma_wait3A_122 = tpu.memref_slice %arg4[%mul3A_2, %dma_wait3A_120, %dma_wait3A_121] : memref<4096x2x104xi32, #tpu.memory_space<hbm>> -> memref<128x2x104xi32, #tpu.memory_space<hbm>>
      %dma_wait3A_123 = arith.constant 0 : i32
      %dma_wait3A_124 = arith.constant 0 : i32
      %dma_wait3A_125 = tpu.memref_slice %arg4[%mul3A_2, %dma_wait3A_123, %dma_wait3A_124] : memref<4096x2x104xi32, #tpu.memory_space<hbm>> -> memref<128x2x104xi32, #tpu.memory_space<hbm>>
      tpu.wait_dma2 semaphore(%run_scoped3A : memref<!tpu.dma_semaphore, #tpu.memory_space<semaphore_mem>>) src(%dma_wait3A_125 : memref<128x2x104xi32, #tpu.memory_space<hbm>>) dst(%arg8 : memref<128x2x104xi32, #tpu.memory_space<vmem>>)
      tpu.yield
    }) : () -> ()
    %mul3A_3 = arith.constant 128 : i32
    %mul3A_4 = arith.muli %arg1, %mul3A_3 : i32
    "tpu.region"() ({
      %run_scoped3A = tpu.sem_alloc : memref<!tpu.dma_semaphore, #tpu.memory_space<semaphore_mem>>
      %dma_start3A_114 = arith.constant 0 : i32
      %dma_start3A_115 = tpu.memref_slice %arg10[%mul3A_4, %dma_start3A_114] : memref<2056x8xf32, #tpu.memory_space<vmem_shared>> -> memref<128x8xf32, #tpu.memory_space<vmem_shared>>
      tpu.enqueue_dma source(%arg5 : memref<128x8xf32, #tpu.memory_space<hbm>>) target(%dma_start3A_115 : memref<128x8xf32, #tpu.memory_space<vmem_shared>>) target_semaphore(%run_scoped3A : memref<!tpu.dma_semaphore, #tpu.memory_space<semaphore_mem>>)
      %dma_wait3A_116 = arith.constant 0 : i32
      %dma_wait3A_117 = tpu.memref_slice %arg10[%mul3A_4, %dma_wait3A_116] : memref<2056x8xf32, #tpu.memory_space<vmem_shared>> -> memref<128x8xf32, #tpu.memory_space<vmem_shared>>
      tpu.wait_dma2 semaphore(%run_scoped3A : memref<!tpu.dma_semaphore, #tpu.memory_space<semaphore_mem>>) src(%arg5 : memref<128x8xf32, #tpu.memory_space<hbm>>) dst(%dma_wait3A_117 : memref<128x8xf32, #tpu.memory_space<vmem_shared>>)
      tpu.yield
    }) : () -> ()
    %dma_start3A = arith.constant 0 : i32
    %dma_start3A_5 = arith.constant 0 : i32
    %dma_start3A_6 = arith.constant 0 : i32
    %dma_start3A_7 = arith.constant 0 : i32
    %dma_start3A_8 = arith.constant 0 : i32
    %dma_start3A_9 = tpu.memref_slice %arg9[%dma_start3A_6, %dma_start3A_7, %dma_start3A_8] : memref<2x208x8xf32, #tpu.memory_space<vmem>> -> memref<1x104x8xf32, #tpu.memory_space<vmem>>
    %dma_start3A_10 = tpu.memref_squeeze %dma_start3A_9 : memref<1x104x8xf32, #tpu.memory_space<vmem>> -> memref<104x8xf32, #tpu.memory_space<vmem>>
    %dma_start3A_11 = arith.constant 0 : i32
    %dma_start3A_12 = tpu.memref_slice %arg7[%dma_start3A, %dma_start3A_5, %dma_start3A_11] : memref<128x2x104xi32, #tpu.memory_space<vmem>> -> memref<1x1x104xi32, #tpu.memory_space<vmem>>
    %dma_start3A_13 = tpu.memref_squeeze %dma_start3A_12 : memref<1x1x104xi32, #tpu.memory_space<vmem>> -> memref<104xi32, #tpu.memory_space<vmem>>
    %dma_start3A_14 = arith.constant 0 : i32
    %dma_start3A_15 = arith.constant 0 : i32
    %dma_start3A_16 = tpu.memref_slice %arg2[%dma_start3A_14, %dma_start3A_15] : memref<1000000x8xf32, #tpu.memory_space<hbm>> -> memref<1000000x8xf32, #tpu.memory_space<hbm>>
    tpu.enqueue_indirect_dma source(%dma_start3A_16 : memref<1000000x8xf32, #tpu.memory_space<hbm>>) target(%dma_start3A_10 : memref<104x8xf32, #tpu.memory_space<vmem>>) offsets(%dma_start3A_13 : memref<104xi32, #tpu.memory_space<vmem>>) semaphore(%arg11 : memref<!tpu.dma_semaphore, #tpu.memory_space<semaphore_mem>>)
    %dma_start3A_17 = arith.constant 0 : i32
    %dma_start3A_18 = arith.constant 1 : i32
    %dma_start3A_19 = arith.constant 0 : i32
    %dma_start3A_20 = arith.constant 104 : i32
    %dma_start3A_21 = arith.constant 0 : i32
    %dma_start3A_22 = tpu.memref_slice %arg9[%dma_start3A_19, %dma_start3A_20, %dma_start3A_21] : memref<2x208x8xf32, #tpu.memory_space<vmem>> -> memref<1x104x8xf32, #tpu.memory_space<vmem>>
    %dma_start3A_23 = tpu.memref_squeeze %dma_start3A_22 : memref<1x104x8xf32, #tpu.memory_space<vmem>> -> memref<104x8xf32, #tpu.memory_space<vmem>>
    %dma_start3A_24 = arith.constant 0 : i32
    %dma_start3A_25 = tpu.memref_slice %arg7[%dma_start3A_17, %dma_start3A_18, %dma_start3A_24] : memref<128x2x104xi32, #tpu.memory_space<vmem>> -> memref<1x1x104xi32, #tpu.memory_space<vmem>>
    %dma_start3A_26 = tpu.memref_squeeze %dma_start3A_25 : memref<1x1x104xi32, #tpu.memory_space<vmem>> -> memref<104xi32, #tpu.memory_space<vmem>>
    %dma_start3A_27 = arith.constant 0 : i32
    %dma_start3A_28 = arith.constant 0 : i32
    %dma_start3A_29 = tpu.memref_slice %arg2[%dma_start3A_27, %dma_start3A_28] : memref<1000000x8xf32, #tpu.memory_space<hbm>> -> memref<1000000x8xf32, #tpu.memory_space<hbm>>
    tpu.enqueue_indirect_dma source(%dma_start3A_29 : memref<1000000x8xf32, #tpu.memory_space<hbm>>) target(%dma_start3A_23 : memref<104x8xf32, #tpu.memory_space<vmem>>) offsets(%dma_start3A_26 : memref<104xi32, #tpu.memory_space<vmem>>) semaphore(%arg11 : memref<!tpu.dma_semaphore, #tpu.memory_space<semaphore_mem>>)
    %dma_start3A_30 = arith.constant 1 : i32
    %dma_start3A_31 = arith.constant 0 : i32
    %dma_start3A_32 = arith.constant 1 : i32
    %dma_start3A_33 = arith.constant 0 : i32
    %dma_start3A_34 = arith.constant 0 : i32
    %dma_start3A_35 = tpu.memref_slice %arg9[%dma_start3A_32, %dma_start3A_33, %dma_start3A_34] : memref<2x208x8xf32, #tpu.memory_space<vmem>> -> memref<1x104x8xf32, #tpu.memory_space<vmem>>
    %dma_start3A_36 = tpu.memref_squeeze %dma_start3A_35 : memref<1x104x8xf32, #tpu.memory_space<vmem>> -> memref<104x8xf32, #tpu.memory_space<vmem>>
    %dma_start3A_37 = arith.constant 0 : i32
    %dma_start3A_38 = tpu.memref_slice %arg7[%dma_start3A_30, %dma_start3A_31, %dma_start3A_37] : memref<128x2x104xi32, #tpu.memory_space<vmem>> -> memref<1x1x104xi32, #tpu.memory_space<vmem>>
    %dma_start3A_39 = tpu.memref_squeeze %dma_start3A_38 : memref<1x1x104xi32, #tpu.memory_space<vmem>> -> memref<104xi32, #tpu.memory_space<vmem>>
    %dma_start3A_40 = arith.constant 0 : i32
    %dma_start3A_41 = arith.constant 0 : i32
    %dma_start3A_42 = tpu.memref_slice %arg2[%dma_start3A_40, %dma_start3A_41] : memref<1000000x8xf32, #tpu.memory_space<hbm>> -> memref<1000000x8xf32, #tpu.memory_space<hbm>>
    tpu.enqueue_indirect_dma source(%dma_start3A_42 : memref<1000000x8xf32, #tpu.memory_space<hbm>>) target(%dma_start3A_36 : memref<104x8xf32, #tpu.memory_space<vmem>>) offsets(%dma_start3A_39 : memref<104xi32, #tpu.memory_space<vmem>>) semaphore(%arg12 : memref<!tpu.dma_semaphore, #tpu.memory_space<semaphore_mem>>)
    %dma_start3A_43 = arith.constant 1 : i32
    %dma_start3A_44 = arith.constant 1 : i32
    %dma_start3A_45 = arith.constant 1 : i32
    %dma_start3A_46 = arith.constant 104 : i32
    %dma_start3A_47 = arith.constant 0 : i32
    %dma_start3A_48 = tpu.memref_slice %arg9[%dma_start3A_45, %dma_start3A_46, %dma_start3A_47] : memref<2x208x8xf32, #tpu.memory_space<vmem>> -> memref<1x104x8xf32, #tpu.memory_space<vmem>>
    %dma_start3A_49 = tpu.memref_squeeze %dma_start3A_48 : memref<1x104x8xf32, #tpu.memory_space<vmem>> -> memref<104x8xf32, #tpu.memory_space<vmem>>
    %dma_start3A_50 = arith.constant 0 : i32
    %dma_start3A_51 = tpu.memref_slice %arg7[%dma_start3A_43, %dma_start3A_44, %dma_start3A_50] : memref<128x2x104xi32, #tpu.memory_space<vmem>> -> memref<1x1x104xi32, #tpu.memory_space<vmem>>
    %dma_start3A_52 = tpu.memref_squeeze %dma_start3A_51 : memref<1x1x104xi32, #tpu.memory_space<vmem>> -> memref<104xi32, #tpu.memory_space<vmem>>
    %dma_start3A_53 = arith.constant 0 : i32
    %dma_start3A_54 = arith.constant 0 : i32
    %dma_start3A_55 = tpu.memref_slice %arg2[%dma_start3A_53, %dma_start3A_54] : memref<1000000x8xf32, #tpu.memory_space<hbm>> -> memref<1000000x8xf32, #tpu.memory_space<hbm>>
    tpu.enqueue_indirect_dma source(%dma_start3A_55 : memref<1000000x8xf32, #tpu.memory_space<hbm>>) target(%dma_start3A_49 : memref<104x8xf32, #tpu.memory_space<vmem>>) offsets(%dma_start3A_52 : memref<104xi32, #tpu.memory_space<vmem>>) semaphore(%arg12 : memref<!tpu.dma_semaphore, #tpu.memory_space<semaphore_mem>>)
    %scan3A = arith.constant 0 : i32
    %scan3A_56 = arith.constant 0 : i32
    %scan3A_57 = arith.constant 64 : i32
    %scan3A_58 = arith.addi %scan3A_56, %scan3A_57 : i32
    %scan3A_59 = arith.constant 1 : i32
    scf.for %scan3A_114 = %scan3A_56 to %scan3A_58 step %scan3A_59  : i32 {
      %mul3A_115 = arith.constant 2 : i32
      %mul3A_116 = arith.muli %mul3A_115, %scan3A_114 : i32
      %add3A_117 = arith.constant 1 : i32
      %add3A_118 = arith.addi %mul3A_116, %add3A_117 : i32
      %dma_wait3A_119 = arith.constant 0 : i32
      %dma_wait3A_120 = arith.constant 0 : i32
      %dma_wait3A_121 = arith.constant 0 : i32
      %dma_wait3A_122 = arith.constant 0 : i32
      %dma_wait3A_123 = tpu.memref_slice %arg9[%dma_wait3A_120, %dma_wait3A_121, %dma_wait3A_122] : memref<2x208x8xf32, #tpu.memory_space<vmem>> -> memref<1x104x8xf32, #tpu.memory_space<vmem>>
      %dma_wait3A_124 = tpu.memref_squeeze %dma_wait3A_123 : memref<1x104x8xf32, #tpu.memory_space<vmem>> -> memref<104x8xf32, #tpu.memory_space<vmem>>
      %dma_wait3A_125 = arith.constant 0 : i32
      %dma_wait3A_126 = tpu.memref_slice %arg7[%mul3A_116, %dma_wait3A_119, %dma_wait3A_125] : memref<128x2x104xi32, #tpu.memory_space<vmem>> -> memref<1x1x104xi32, #tpu.memory_space<vmem>>
      %dma_wait3A_127 = tpu.memref_squeeze %dma_wait3A_126 : memref<1x1x104xi32, #tpu.memory_space<vmem>> -> memref<104xi32, #tpu.memory_space<vmem>>
      %dma_wait3A_128 = arith.constant 0 : i32
      %dma_wait3A_129 = arith.constant 0 : i32
      %dma_wait3A_130 = tpu.memref_slice %arg2[%dma_wait3A_128, %dma_wait3A_129] : memref<1000000x8xf32, #tpu.memory_space<hbm>> -> memref<1000000x8xf32, #tpu.memory_space<hbm>>
      tpu.wait_indirect_dma semaphore(%arg11 : memref<!tpu.dma_semaphore, #tpu.memory_space<semaphore_mem>>) src(%dma_wait3A_130 : memref<1000000x8xf32, #tpu.memory_space<hbm>>) dst(%dma_wait3A_124 : memref<104x8xf32, #tpu.memory_space<vmem>>)
      %dma_wait3A_131 = arith.constant 1 : i32
      %dma_wait3A_132 = arith.constant 0 : i32
      %dma_wait3A_133 = arith.constant 104 : i32
      %dma_wait3A_134 = arith.constant 0 : i32
      %dma_wait3A_135 = tpu.memref_slice %arg9[%dma_wait3A_132, %dma_wait3A_133, %dma_wait3A_134] : memref<2x208x8xf32, #tpu.memory_space<vmem>> -> memref<1x104x8xf32, #tpu.memory_space<vmem>>
      %dma_wait3A_136 = tpu.memref_squeeze %dma_wait3A_135 : memref<1x104x8xf32, #tpu.memory_space<vmem>> -> memref<104x8xf32, #tpu.memory_space<vmem>>
      %dma_wait3A_137 = arith.constant 0 : i32
      %dma_wait3A_138 = tpu.memref_slice %arg7[%mul3A_116, %dma_wait3A_131, %dma_wait3A_137] : memref<128x2x104xi32, #tpu.memory_space<vmem>> -> memref<1x1x104xi32, #tpu.memory_space<vmem>>
      %dma_wait3A_139 = tpu.memref_squeeze %dma_wait3A_138 : memref<1x1x104xi32, #tpu.memory_space<vmem>> -> memref<104xi32, #tpu.memory_space<vmem>>
      %dma_wait3A_140 = arith.constant 0 : i32
      %dma_wait3A_141 = arith.constant 0 : i32
      %dma_wait3A_142 = tpu.memref_slice %arg2[%dma_wait3A_140, %dma_wait3A_141] : memref<1000000x8xf32, #tpu.memory_space<hbm>> -> memref<1000000x8xf32, #tpu.memory_space<hbm>>
      tpu.wait_indirect_dma semaphore(%arg11 : memref<!tpu.dma_semaphore, #tpu.memory_space<semaphore_mem>>) src(%dma_wait3A_142 : memref<1000000x8xf32, #tpu.memory_space<hbm>>) dst(%dma_wait3A_136 : memref<104x8xf32, #tpu.memory_space<vmem>>)
      %dma_start3A_143 = arith.constant 0 : i32
      %dma_start3A_144 = arith.constant 0 : i32
      %dma_start3A_145 = arith.constant 0 : i32
      %dma_start3A_146 = arith.constant 0 : i32
      %dma_start3A_147 = tpu.memref_slice %arg9[%dma_start3A_143, %dma_start3A_145, %dma_start3A_146] : memref<2x208x8xf32, #tpu.memory_space<vmem>> -> memref<1x104x8xf32, #tpu.memory_space<vmem>>
      %dma_start3A_148 = tpu.memref_squeeze %dma_start3A_147 : memref<1x104x8xf32, #tpu.memory_space<vmem>> -> memref<104x8xf32, #tpu.memory_space<vmem>>
      %dma_start3A_149 = arith.constant 0 : i32
      %dma_start3A_150 = tpu.memref_slice %arg8[%mul3A_116, %dma_start3A_144, %dma_start3A_149] : memref<128x2x104xi32, #tpu.memory_space<vmem>> -> memref<1x1x104xi32, #tpu.memory_space<vmem>>
      %dma_start3A_151 = tpu.memref_squeeze %dma_start3A_150 : memref<1x1x104xi32, #tpu.memory_space<vmem>> -> memref<104xi32, #tpu.memory_space<vmem>>
      %dma_start3A_152 = arith.constant 0 : i32
      %dma_start3A_153 = arith.constant 0 : i32
      %dma_start3A_154 = tpu.memref_slice %arg10[%dma_start3A_152, %dma_start3A_153] : memref<2056x8xf32, #tpu.memory_space<vmem_shared>> -> memref<2056x8xf32, #tpu.memory_space<vmem_shared>>
      tpu.enqueue_indirect_dma source(%dma_start3A_148 : memref<104x8xf32, #tpu.memory_space<vmem>>) target(%dma_start3A_154 : memref<2056x8xf32, #tpu.memory_space<vmem_shared>>) offsets(%dma_start3A_151 : memref<104xi32, #tpu.memory_space<vmem>>) semaphore(%arg13 : memref<!tpu.dma_semaphore, #tpu.memory_space<semaphore_mem>>) {add = true}
      %dma_start3A_155 = arith.constant 0 : i32
      %dma_start3A_156 = arith.constant 1 : i32
      %dma_start3A_157 = arith.constant 104 : i32
      %dma_start3A_158 = arith.constant 0 : i32
      %dma_start3A_159 = tpu.memref_slice %arg9[%dma_start3A_155, %dma_start3A_157, %dma_start3A_158] : memref<2x208x8xf32, #tpu.memory_space<vmem>> -> memref<1x104x8xf32, #tpu.memory_space<vmem>>
      %dma_start3A_160 = tpu.memref_squeeze %dma_start3A_159 : memref<1x104x8xf32, #tpu.memory_space<vmem>> -> memref<104x8xf32, #tpu.memory_space<vmem>>
      %dma_start3A_161 = arith.constant 0 : i32
      %dma_start3A_162 = tpu.memref_slice %arg8[%mul3A_116, %dma_start3A_156, %dma_start3A_161] : memref<128x2x104xi32, #tpu.memory_space<vmem>> -> memref<1x1x104xi32, #tpu.memory_space<vmem>>
      %dma_start3A_163 = tpu.memref_squeeze %dma_start3A_162 : memref<1x1x104xi32, #tpu.memory_space<vmem>> -> memref<104xi32, #tpu.memory_space<vmem>>
      %dma_start3A_164 = arith.constant 0 : i32
      %dma_start3A_165 = arith.constant 0 : i32
      %dma_start3A_166 = tpu.memref_slice %arg10[%dma_start3A_164, %dma_start3A_165] : memref<2056x8xf32, #tpu.memory_space<vmem_shared>> -> memref<2056x8xf32, #tpu.memory_space<vmem_shared>>
      tpu.enqueue_indirect_dma source(%dma_start3A_160 : memref<104x8xf32, #tpu.memory_space<vmem>>) target(%dma_start3A_166 : memref<2056x8xf32, #tpu.memory_space<vmem_shared>>) offsets(%dma_start3A_163 : memref<104xi32, #tpu.memory_space<vmem>>) semaphore(%arg13 : memref<!tpu.dma_semaphore, #tpu.memory_space<semaphore_mem>>) {add = true}
      %dma_wait3A_167 = arith.constant 0 : i32
      %dma_wait3A_168 = arith.constant 0 : i32
      %dma_wait3A_169 = arith.constant 0 : i32
      %dma_wait3A_170 = arith.constant 0 : i32
      %dma_wait3A_171 = tpu.memref_slice %arg9[%dma_wait3A_167, %dma_wait3A_169, %dma_wait3A_170] : memref<2x208x8xf32, #tpu.memory_space<vmem>> -> memref<1x104x8xf32, #tpu.memory_space<vmem>>
      %dma_wait3A_172 = tpu.memref_squeeze %dma_wait3A_171 : memref<1x104x8xf32, #tpu.memory_space<vmem>> -> memref<104x8xf32, #tpu.memory_space<vmem>>
      %dma_wait3A_173 = arith.constant 0 : i32
      %dma_wait3A_174 = tpu.memref_slice %arg8[%mul3A_116, %dma_wait3A_168, %dma_wait3A_173] : memref<128x2x104xi32, #tpu.memory_space<vmem>> -> memref<1x1x104xi32, #tpu.memory_space<vmem>>
      %dma_wait3A_175 = tpu.memref_squeeze %dma_wait3A_174 : memref<1x1x104xi32, #tpu.memory_space<vmem>> -> memref<104xi32, #tpu.memory_space<vmem>>
      %dma_wait3A_176 = arith.constant 0 : i32
      %dma_wait3A_177 = arith.constant 0 : i32
      %dma_wait3A_178 = tpu.memref_slice %arg10[%dma_wait3A_176, %dma_wait3A_177] : memref<2056x8xf32, #tpu.memory_space<vmem_shared>> -> memref<2056x8xf32, #tpu.memory_space<vmem_shared>>
      tpu.wait_indirect_dma semaphore(%arg13 : memref<!tpu.dma_semaphore, #tpu.memory_space<semaphore_mem>>) src(%dma_wait3A_172 : memref<104x8xf32, #tpu.memory_space<vmem>>) dst(%dma_wait3A_178 : memref<2056x8xf32, #tpu.memory_space<vmem_shared>>)
      %dma_wait3A_179 = arith.constant 0 : i32
      %dma_wait3A_180 = arith.constant 1 : i32
      %dma_wait3A_181 = arith.constant 104 : i32
      %dma_wait3A_182 = arith.constant 0 : i32
      %dma_wait3A_183 = tpu.memref_slice %arg9[%dma_wait3A_179, %dma_wait3A_181, %dma_wait3A_182] : memref<2x208x8xf32, #tpu.memory_space<vmem>> -> memref<1x104x8xf32, #tpu.memory_space<vmem>>
      %dma_wait3A_184 = tpu.memref_squeeze %dma_wait3A_183 : memref<1x104x8xf32, #tpu.memory_space<vmem>> -> memref<104x8xf32, #tpu.memory_space<vmem>>
      %dma_wait3A_185 = arith.constant 0 : i32
      %dma_wait3A_186 = tpu.memref_slice %arg8[%mul3A_116, %dma_wait3A_180, %dma_wait3A_185] : memref<128x2x104xi32, #tpu.memory_space<vmem>> -> memref<1x1x104xi32, #tpu.memory_space<vmem>>
      %dma_wait3A_187 = tpu.memref_squeeze %dma_wait3A_186 : memref<1x1x104xi32, #tpu.memory_space<vmem>> -> memref<104xi32, #tpu.memory_space<vmem>>
      %dma_wait3A_188 = arith.constant 0 : i32
      %dma_wait3A_189 = arith.constant 0 : i32
      %dma_wait3A_190 = tpu.memref_slice %arg10[%dma_wait3A_188, %dma_wait3A_189] : memref<2056x8xf32, #tpu.memory_space<vmem_shared>> -> memref<2056x8xf32, #tpu.memory_space<vmem_shared>>
      tpu.wait_indirect_dma semaphore(%arg13 : memref<!tpu.dma_semaphore, #tpu.memory_space<semaphore_mem>>) src(%dma_wait3A_184 : memref<104x8xf32, #tpu.memory_space<vmem>>) dst(%dma_wait3A_190 : memref<2056x8xf32, #tpu.memory_space<vmem_shared>>)
      %add3A_191 = arith.constant 2 : i32
      %add3A_192 = arith.addi %mul3A_116, %add3A_191 : i32
      %min3A = arith.constant 127 : i32
      %min3A_193 = arith.minsi %add3A_192, %min3A : i32
      %dma_start3A_194 = arith.constant 0 : i32
      %dma_start3A_195 = arith.constant 0 : i32
      %dma_start3A_196 = arith.constant 0 : i32
      %dma_start3A_197 = arith.constant 0 : i32
      %dma_start3A_198 = tpu.memref_slice %arg9[%dma_start3A_195, %dma_start3A_196, %dma_start3A_197] : memref<2x208x8xf32, #tpu.memory_space<vmem>> -> memref<1x104x8xf32, #tpu.memory_space<vmem>>
      %dma_start3A_199 = tpu.memref_squeeze %dma_start3A_198 : memref<1x104x8xf32, #tpu.memory_space<vmem>> -> memref<104x8xf32, #tpu.memory_space<vmem>>
      %dma_start3A_200 = arith.constant 0 : i32
      %dma_start3A_201 = tpu.memref_slice %arg7[%min3A_193, %dma_start3A_194, %dma_start3A_200] : memref<128x2x104xi32, #tpu.memory_space<vmem>> -> memref<1x1x104xi32, #tpu.memory_space<vmem>>
      %dma_start3A_202 = tpu.memref_squeeze %dma_start3A_201 : memref<1x1x104xi32, #tpu.memory_space<vmem>> -> memref<104xi32, #tpu.memory_space<vmem>>
      %dma_start3A_203 = arith.constant 0 : i32
      %dma_start3A_204 = arith.constant 0 : i32
      %dma_start3A_205 = tpu.memref_slice %arg2[%dma_start3A_203, %dma_start3A_204] : memref<1000000x8xf32, #tpu.memory_space<hbm>> -> memref<1000000x8xf32, #tpu.memory_space<hbm>>
      tpu.enqueue_indirect_dma source(%dma_start3A_205 : memref<1000000x8xf32, #tpu.memory_space<hbm>>) target(%dma_start3A_199 : memref<104x8xf32, #tpu.memory_space<vmem>>) offsets(%dma_start3A_202 : memref<104xi32, #tpu.memory_space<vmem>>) semaphore(%arg11 : memref<!tpu.dma_semaphore, #tpu.memory_space<semaphore_mem>>)
      %dma_start3A_206 = arith.constant 1 : i32
      %dma_start3A_207 = arith.constant 0 : i32
      %dma_start3A_208 = arith.constant 104 : i32
      %dma_start3A_209 = arith.constant 0 : i32
      %dma_start3A_210 = tpu.memref_slice %arg9[%dma_start3A_207, %dma_start3A_208, %dma_start3A_209] : memref<2x208x8xf32, #tpu.memory_space<vmem>> -> memref<1x104x8xf32, #tpu.memory_space<vmem>>
      %dma_start3A_211 = tpu.memref_squeeze %dma_start3A_210 : memref<1x104x8xf32, #tpu.memory_space<vmem>> -> memref<104x8xf32, #tpu.memory_space<vmem>>
      %dma_start3A_212 = arith.constant 0 : i32
      %dma_start3A_213 = tpu.memref_slice %arg7[%min3A_193, %dma_start3A_206, %dma_start3A_212] : memref<128x2x104xi32, #tpu.memory_space<vmem>> -> memref<1x1x104xi32, #tpu.memory_space<vmem>>
      %dma_start3A_214 = tpu.memref_squeeze %dma_start3A_213 : memref<1x1x104xi32, #tpu.memory_space<vmem>> -> memref<104xi32, #tpu.memory_space<vmem>>
      %dma_start3A_215 = arith.constant 0 : i32
      %dma_start3A_216 = arith.constant 0 : i32
      %dma_start3A_217 = tpu.memref_slice %arg2[%dma_start3A_215, %dma_start3A_216] : memref<1000000x8xf32, #tpu.memory_space<hbm>> -> memref<1000000x8xf32, #tpu.memory_space<hbm>>
      tpu.enqueue_indirect_dma source(%dma_start3A_217 : memref<1000000x8xf32, #tpu.memory_space<hbm>>) target(%dma_start3A_211 : memref<104x8xf32, #tpu.memory_space<vmem>>) offsets(%dma_start3A_214 : memref<104xi32, #tpu.memory_space<vmem>>) semaphore(%arg11 : memref<!tpu.dma_semaphore, #tpu.memory_space<semaphore_mem>>)
      %dma_wait3A_218 = arith.constant 0 : i32
      %dma_wait3A_219 = arith.constant 1 : i32
      %dma_wait3A_220 = arith.constant 0 : i32
      %dma_wait3A_221 = arith.constant 0 : i32
      %dma_wait3A_222 = tpu.memref_slice %arg9[%dma_wait3A_219, %dma_wait3A_220, %dma_wait3A_221] : memref<2x208x8xf32, #tpu.memory_space<vmem>> -> memref<1x104x8xf32, #tpu.memory_space<vmem>>
      %dma_wait3A_223 = tpu.memref_squeeze %dma_wait3A_222 : memref<1x104x8xf32, #tpu.memory_space<vmem>> -> memref<104x8xf32, #tpu.memory_space<vmem>>
      %dma_wait3A_224 = arith.constant 0 : i32
      %dma_wait3A_225 = tpu.memref_slice %arg7[%add3A_118, %dma_wait3A_218, %dma_wait3A_224] : memref<128x2x104xi32, #tpu.memory_space<vmem>> -> memref<1x1x104xi32, #tpu.memory_space<vmem>>
      %dma_wait3A_226 = tpu.memref_squeeze %dma_wait3A_225 : memref<1x1x104xi32, #tpu.memory_space<vmem>> -> memref<104xi32, #tpu.memory_space<vmem>>
      %dma_wait3A_227 = arith.constant 0 : i32
      %dma_wait3A_228 = arith.constant 0 : i32
      %dma_wait3A_229 = tpu.memref_slice %arg2[%dma_wait3A_227, %dma_wait3A_228] : memref<1000000x8xf32, #tpu.memory_space<hbm>> -> memref<1000000x8xf32, #tpu.memory_space<hbm>>
      tpu.wait_indirect_dma semaphore(%arg12 : memref<!tpu.dma_semaphore, #tpu.memory_space<semaphore_mem>>) src(%dma_wait3A_229 : memref<1000000x8xf32, #tpu.memory_space<hbm>>) dst(%dma_wait3A_223 : memref<104x8xf32, #tpu.memory_space<vmem>>)
      %dma_wait3A_230 = arith.constant 1 : i32
      %dma_wait3A_231 = arith.constant 1 : i32
      %dma_wait3A_232 = arith.constant 104 : i32
      %dma_wait3A_233 = arith.constant 0 : i32
      %dma_wait3A_234 = tpu.memref_slice %arg9[%dma_wait3A_231, %dma_wait3A_232, %dma_wait3A_233] : memref<2x208x8xf32, #tpu.memory_space<vmem>> -> memref<1x104x8xf32, #tpu.memory_space<vmem>>
      %dma_wait3A_235 = tpu.memref_squeeze %dma_wait3A_234 : memref<1x104x8xf32, #tpu.memory_space<vmem>> -> memref<104x8xf32, #tpu.memory_space<vmem>>
      %dma_wait3A_236 = arith.constant 0 : i32
      %dma_wait3A_237 = tpu.memref_slice %arg7[%add3A_118, %dma_wait3A_230, %dma_wait3A_236] : memref<128x2x104xi32, #tpu.memory_space<vmem>> -> memref<1x1x104xi32, #tpu.memory_space<vmem>>
      %dma_wait3A_238 = tpu.memref_squeeze %dma_wait3A_237 : memref<1x1x104xi32, #tpu.memory_space<vmem>> -> memref<104xi32, #tpu.memory_space<vmem>>
      %dma_wait3A_239 = arith.constant 0 : i32
      %dma_wait3A_240 = arith.constant 0 : i32
      %dma_wait3A_241 = tpu.memref_slice %arg2[%dma_wait3A_239, %dma_wait3A_240] : memref<1000000x8xf32, #tpu.memory_space<hbm>> -> memref<1000000x8xf32, #tpu.memory_space<hbm>>
      tpu.wait_indirect_dma semaphore(%arg12 : memref<!tpu.dma_semaphore, #tpu.memory_space<semaphore_mem>>) src(%dma_wait3A_241 : memref<1000000x8xf32, #tpu.memory_space<hbm>>) dst(%dma_wait3A_235 : memref<104x8xf32, #tpu.memory_space<vmem>>)
      %dma_start3A_242 = arith.constant 1 : i32
      %dma_start3A_243 = arith.constant 0 : i32
      %dma_start3A_244 = arith.constant 0 : i32
      %dma_start3A_245 = arith.constant 0 : i32
      %dma_start3A_246 = tpu.memref_slice %arg9[%dma_start3A_242, %dma_start3A_244, %dma_start3A_245] : memref<2x208x8xf32, #tpu.memory_space<vmem>> -> memref<1x104x8xf32, #tpu.memory_space<vmem>>
      %dma_start3A_247 = tpu.memref_squeeze %dma_start3A_246 : memref<1x104x8xf32, #tpu.memory_space<vmem>> -> memref<104x8xf32, #tpu.memory_space<vmem>>
      %dma_start3A_248 = arith.constant 0 : i32
      %dma_start3A_249 = tpu.memref_slice %arg8[%add3A_118, %dma_start3A_243, %dma_start3A_248] : memref<128x2x104xi32, #tpu.memory_space<vmem>> -> memref<1x1x104xi32, #tpu.memory_space<vmem>>
      %dma_start3A_250 = tpu.memref_squeeze %dma_start3A_249 : memref<1x1x104xi32, #tpu.memory_space<vmem>> -> memref<104xi32, #tpu.memory_space<vmem>>
      %dma_start3A_251 = arith.constant 0 : i32
      %dma_start3A_252 = arith.constant 0 : i32
      %dma_start3A_253 = tpu.memref_slice %arg10[%dma_start3A_251, %dma_start3A_252] : memref<2056x8xf32, #tpu.memory_space<vmem_shared>> -> memref<2056x8xf32, #tpu.memory_space<vmem_shared>>
      tpu.enqueue_indirect_dma source(%dma_start3A_247 : memref<104x8xf32, #tpu.memory_space<vmem>>) target(%dma_start3A_253 : memref<2056x8xf32, #tpu.memory_space<vmem_shared>>) offsets(%dma_start3A_250 : memref<104xi32, #tpu.memory_space<vmem>>) semaphore(%arg14 : memref<!tpu.dma_semaphore, #tpu.memory_space<semaphore_mem>>) {add = true}
      %dma_start3A_254 = arith.constant 1 : i32
      %dma_start3A_255 = arith.constant 1 : i32
      %dma_start3A_256 = arith.constant 104 : i32
      %dma_start3A_257 = arith.constant 0 : i32
      %dma_start3A_258 = tpu.memref_slice %arg9[%dma_start3A_254, %dma_start3A_256, %dma_start3A_257] : memref<2x208x8xf32, #tpu.memory_space<vmem>> -> memref<1x104x8xf32, #tpu.memory_space<vmem>>
      %dma_start3A_259 = tpu.memref_squeeze %dma_start3A_258 : memref<1x104x8xf32, #tpu.memory_space<vmem>> -> memref<104x8xf32, #tpu.memory_space<vmem>>
      %dma_start3A_260 = arith.constant 0 : i32
      %dma_start3A_261 = tpu.memref_slice %arg8[%add3A_118, %dma_start3A_255, %dma_start3A_260] : memref<128x2x104xi32, #tpu.memory_space<vmem>> -> memref<1x1x104xi32, #tpu.memory_space<vmem>>
      %dma_start3A_262 = tpu.memref_squeeze %dma_start3A_261 : memref<1x1x104xi32, #tpu.memory_space<vmem>> -> memref<104xi32, #tpu.memory_space<vmem>>
      %dma_start3A_263 = arith.constant 0 : i32
      %dma_start3A_264 = arith.constant 0 : i32
      %dma_start3A_265 = tpu.memref_slice %arg10[%dma_start3A_263, %dma_start3A_264] : memref<2056x8xf32, #tpu.memory_space<vmem_shared>> -> memref<2056x8xf32, #tpu.memory_space<vmem_shared>>
      tpu.enqueue_indirect_dma source(%dma_start3A_259 : memref<104x8xf32, #tpu.memory_space<vmem>>) target(%dma_start3A_265 : memref<2056x8xf32, #tpu.memory_space<vmem_shared>>) offsets(%dma_start3A_262 : memref<104xi32, #tpu.memory_space<vmem>>) semaphore(%arg14 : memref<!tpu.dma_semaphore, #tpu.memory_space<semaphore_mem>>) {add = true}
      %dma_wait3A_266 = arith.constant 1 : i32
      %dma_wait3A_267 = arith.constant 0 : i32
      %dma_wait3A_268 = arith.constant 0 : i32
      %dma_wait3A_269 = arith.constant 0 : i32
      %dma_wait3A_270 = tpu.memref_slice %arg9[%dma_wait3A_266, %dma_wait3A_268, %dma_wait3A_269] : memref<2x208x8xf32, #tpu.memory_space<vmem>> -> memref<1x104x8xf32, #tpu.memory_space<vmem>>
      %dma_wait3A_271 = tpu.memref_squeeze %dma_wait3A_270 : memref<1x104x8xf32, #tpu.memory_space<vmem>> -> memref<104x8xf32, #tpu.memory_space<vmem>>
      %dma_wait3A_272 = arith.constant 0 : i32
      %dma_wait3A_273 = tpu.memref_slice %arg8[%add3A_118, %dma_wait3A_267, %dma_wait3A_272] : memref<128x2x104xi32, #tpu.memory_space<vmem>> -> memref<1x1x104xi32, #tpu.memory_space<vmem>>
      %dma_wait3A_274 = tpu.memref_squeeze %dma_wait3A_273 : memref<1x1x104xi32, #tpu.memory_space<vmem>> -> memref<104xi32, #tpu.memory_space<vmem>>
      %dma_wait3A_275 = arith.constant 0 : i32
      %dma_wait3A_276 = arith.constant 0 : i32
      %dma_wait3A_277 = tpu.memref_slice %arg10[%dma_wait3A_275, %dma_wait3A_276] : memref<2056x8xf32, #tpu.memory_space<vmem_shared>> -> memref<2056x8xf32, #tpu.memory_space<vmem_shared>>
      tpu.wait_indirect_dma semaphore(%arg14 : memref<!tpu.dma_semaphore, #tpu.memory_space<semaphore_mem>>) src(%dma_wait3A_271 : memref<104x8xf32, #tpu.memory_space<vmem>>) dst(%dma_wait3A_277 : memref<2056x8xf32, #tpu.memory_space<vmem_shared>>)
      %dma_wait3A_278 = arith.constant 1 : i32
      %dma_wait3A_279 = arith.constant 1 : i32
      %dma_wait3A_280 = arith.constant 104 : i32
      %dma_wait3A_281 = arith.constant 0 : i32
      %dma_wait3A_282 = tpu.memref_slice %arg9[%dma_wait3A_278, %dma_wait3A_280, %dma_wait3A_281] : memref<2x208x8xf32, #tpu.memory_space<vmem>> -> memref<1x104x8xf32, #tpu.memory_space<vmem>>
      %dma_wait3A_283 = tpu.memref_squeeze %dma_wait3A_282 : memref<1x104x8xf32, #tpu.memory_space<vmem>> -> memref<104x8xf32, #tpu.memory_space<vmem>>
      %dma_wait3A_284 = arith.constant 0 : i32
      %dma_wait3A_285 = tpu.memref_slice %arg8[%add3A_118, %dma_wait3A_279, %dma_wait3A_284] : memref<128x2x104xi32, #tpu.memory_space<vmem>> -> memref<1x1x104xi32, #tpu.memory_space<vmem>>
      %dma_wait3A_286 = tpu.memref_squeeze %dma_wait3A_285 : memref<1x1x104xi32, #tpu.memory_space<vmem>> -> memref<104xi32, #tpu.memory_space<vmem>>
      %dma_wait3A_287 = arith.constant 0 : i32
      %dma_wait3A_288 = arith.constant 0 : i32
      %dma_wait3A_289 = tpu.memref_slice %arg10[%dma_wait3A_287, %dma_wait3A_288] : memref<2056x8xf32, #tpu.memory_space<vmem_shared>> -> memref<2056x8xf32, #tpu.memory_space<vmem_shared>>
      tpu.wait_indirect_dma semaphore(%arg14 : memref<!tpu.dma_semaphore, #tpu.memory_space<semaphore_mem>>) src(%dma_wait3A_283 : memref<104x8xf32, #tpu.memory_space<vmem>>) dst(%dma_wait3A_289 : memref<2056x8xf32, #tpu.memory_space<vmem_shared>>)
      %add3A_290 = arith.constant 2 : i32
      %add3A_291 = arith.addi %add3A_118, %add3A_290 : i32
      %min3A_292 = arith.constant 127 : i32
      %min3A_293 = arith.minsi %add3A_291, %min3A_292 : i32
      %dma_start3A_294 = arith.constant 0 : i32
      %dma_start3A_295 = arith.constant 1 : i32
      %dma_start3A_296 = arith.constant 0 : i32
      %dma_start3A_297 = arith.constant 0 : i32
      %dma_start3A_298 = tpu.memref_slice %arg9[%dma_start3A_295, %dma_start3A_296, %dma_start3A_297] : memref<2x208x8xf32, #tpu.memory_space<vmem>> -> memref<1x104x8xf32, #tpu.memory_space<vmem>>
      %dma_start3A_299 = tpu.memref_squeeze %dma_start3A_298 : memref<1x104x8xf32, #tpu.memory_space<vmem>> -> memref<104x8xf32, #tpu.memory_space<vmem>>
      %dma_start3A_300 = arith.constant 0 : i32
      %dma_start3A_301 = tpu.memref_slice %arg7[%min3A_293, %dma_start3A_294, %dma_start3A_300] : memref<128x2x104xi32, #tpu.memory_space<vmem>> -> memref<1x1x104xi32, #tpu.memory_space<vmem>>
      %dma_start3A_302 = tpu.memref_squeeze %dma_start3A_301 : memref<1x1x104xi32, #tpu.memory_space<vmem>> -> memref<104xi32, #tpu.memory_space<vmem>>
      %dma_start3A_303 = arith.constant 0 : i32
      %dma_start3A_304 = arith.constant 0 : i32
      %dma_start3A_305 = tpu.memref_slice %arg2[%dma_start3A_303, %dma_start3A_304] : memref<1000000x8xf32, #tpu.memory_space<hbm>> -> memref<1000000x8xf32, #tpu.memory_space<hbm>>
      tpu.enqueue_indirect_dma source(%dma_start3A_305 : memref<1000000x8xf32, #tpu.memory_space<hbm>>) target(%dma_start3A_299 : memref<104x8xf32, #tpu.memory_space<vmem>>) offsets(%dma_start3A_302 : memref<104xi32, #tpu.memory_space<vmem>>) semaphore(%arg12 : memref<!tpu.dma_semaphore, #tpu.memory_space<semaphore_mem>>)
      %dma_start3A_306 = arith.constant 1 : i32
      %dma_start3A_307 = arith.constant 1 : i32
      %dma_start3A_308 = arith.constant 104 : i32
      %dma_start3A_309 = arith.constant 0 : i32
      %dma_start3A_310 = tpu.memref_slice %arg9[%dma_start3A_307, %dma_start3A_308, %dma_start3A_309] : memref<2x208x8xf32, #tpu.memory_space<vmem>> -> memref<1x104x8xf32, #tpu.memory_space<vmem>>
      %dma_start3A_311 = tpu.memref_squeeze %dma_start3A_310 : memref<1x104x8xf32, #tpu.memory_space<vmem>> -> memref<104x8xf32, #tpu.memory_space<vmem>>
      %dma_start3A_312 = arith.constant 0 : i32
      %dma_start3A_313 = tpu.memref_slice %arg7[%min3A_293, %dma_start3A_306, %dma_start3A_312] : memref<128x2x104xi32, #tpu.memory_space<vmem>> -> memref<1x1x104xi32, #tpu.memory_space<vmem>>
      %dma_start3A_314 = tpu.memref_squeeze %dma_start3A_313 : memref<1x1x104xi32, #tpu.memory_space<vmem>> -> memref<104xi32, #tpu.memory_space<vmem>>
      %dma_start3A_315 = arith.constant 0 : i32
      %dma_start3A_316 = arith.constant 0 : i32
      %dma_start3A_317 = tpu.memref_slice %arg2[%dma_start3A_315, %dma_start3A_316] : memref<1000000x8xf32, #tpu.memory_space<hbm>> -> memref<1000000x8xf32, #tpu.memory_space<hbm>>
      tpu.enqueue_indirect_dma source(%dma_start3A_317 : memref<1000000x8xf32, #tpu.memory_space<hbm>>) target(%dma_start3A_311 : memref<104x8xf32, #tpu.memory_space<vmem>>) offsets(%dma_start3A_314 : memref<104xi32, #tpu.memory_space<vmem>>) semaphore(%arg12 : memref<!tpu.dma_semaphore, #tpu.memory_space<semaphore_mem>>)
    }
    %scan3A_60 = arith.constant 64 : i32
    %dma_wait3A = arith.constant 127 : i32
    %dma_wait3A_61 = arith.constant 0 : i32
    %dma_wait3A_62 = arith.constant 0 : i32
    %dma_wait3A_63 = arith.constant 0 : i32
    %dma_wait3A_64 = arith.constant 0 : i32
    %dma_wait3A_65 = tpu.memref_slice %arg9[%dma_wait3A_62, %dma_wait3A_63, %dma_wait3A_64] : memref<2x208x8xf32, #tpu.memory_space<vmem>> -> memref<1x104x8xf32, #tpu.memory_space<vmem>>
    %dma_wait3A_66 = tpu.memref_squeeze %dma_wait3A_65 : memref<1x104x8xf32, #tpu.memory_space<vmem>> -> memref<104x8xf32, #tpu.memory_space<vmem>>
    %dma_wait3A_67 = arith.constant 0 : i32
    %dma_wait3A_68 = tpu.memref_slice %arg7[%dma_wait3A, %dma_wait3A_61, %dma_wait3A_67] : memref<128x2x104xi32, #tpu.memory_space<vmem>> -> memref<1x1x104xi32, #tpu.memory_space<vmem>>
    %dma_wait3A_69 = tpu.memref_squeeze %dma_wait3A_68 : memref<1x1x104xi32, #tpu.memory_space<vmem>> -> memref<104xi32, #tpu.memory_space<vmem>>
    %dma_wait3A_70 = arith.constant 0 : i32
    %dma_wait3A_71 = arith.constant 0 : i32
    %dma_wait3A_72 = tpu.memref_slice %arg2[%dma_wait3A_70, %dma_wait3A_71] : memref<1000000x8xf32, #tpu.memory_space<hbm>> -> memref<1000000x8xf32, #tpu.memory_space<hbm>>
    tpu.wait_indirect_dma semaphore(%arg11 : memref<!tpu.dma_semaphore, #tpu.memory_space<semaphore_mem>>) src(%dma_wait3A_72 : memref<1000000x8xf32, #tpu.memory_space<hbm>>) dst(%dma_wait3A_66 : memref<104x8xf32, #tpu.memory_space<vmem>>)
    %dma_wait3A_73 = arith.constant 127 : i32
    %dma_wait3A_74 = arith.constant 1 : i32
    %dma_wait3A_75 = arith.constant 0 : i32
    %dma_wait3A_76 = arith.constant 104 : i32
    %dma_wait3A_77 = arith.constant 0 : i32
    %dma_wait3A_78 = tpu.memref_slice %arg9[%dma_wait3A_75, %dma_wait3A_76, %dma_wait3A_77] : memref<2x208x8xf32, #tpu.memory_space<vmem>> -> memref<1x104x8xf32, #tpu.memory_space<vmem>>
    %dma_wait3A_79 = tpu.memref_squeeze %dma_wait3A_78 : memref<1x104x8xf32, #tpu.memory_space<vmem>> -> memref<104x8xf32, #tpu.memory_space<vmem>>
    %dma_wait3A_80 = arith.constant 0 : i32
    %dma_wait3A_81 = tpu.memref_slice %arg7[%dma_wait3A_73, %dma_wait3A_74, %dma_wait3A_80] : memref<128x2x104xi32, #tpu.memory_space<vmem>> -> memref<1x1x104xi32, #tpu.memory_space<vmem>>
    %dma_wait3A_82 = tpu.memref_squeeze %dma_wait3A_81 : memref<1x1x104xi32, #tpu.memory_space<vmem>> -> memref<104xi32, #tpu.memory_space<vmem>>
    %dma_wait3A_83 = arith.constant 0 : i32
    %dma_wait3A_84 = arith.constant 0 : i32
    %dma_wait3A_85 = tpu.memref_slice %arg2[%dma_wait3A_83, %dma_wait3A_84] : memref<1000000x8xf32, #tpu.memory_space<hbm>> -> memref<1000000x8xf32, #tpu.memory_space<hbm>>
    tpu.wait_indirect_dma semaphore(%arg11 : memref<!tpu.dma_semaphore, #tpu.memory_space<semaphore_mem>>) src(%dma_wait3A_85 : memref<1000000x8xf32, #tpu.memory_space<hbm>>) dst(%dma_wait3A_79 : memref<104x8xf32, #tpu.memory_space<vmem>>)
    %dma_wait3A_86 = arith.constant 127 : i32
    %dma_wait3A_87 = arith.constant 0 : i32
    %dma_wait3A_88 = arith.constant 1 : i32
    %dma_wait3A_89 = arith.constant 0 : i32
    %dma_wait3A_90 = arith.constant 0 : i32
    %dma_wait3A_91 = tpu.memref_slice %arg9[%dma_wait3A_88, %dma_wait3A_89, %dma_wait3A_90] : memref<2x208x8xf32, #tpu.memory_space<vmem>> -> memref<1x104x8xf32, #tpu.memory_space<vmem>>
    %dma_wait3A_92 = tpu.memref_squeeze %dma_wait3A_91 : memref<1x104x8xf32, #tpu.memory_space<vmem>> -> memref<104x8xf32, #tpu.memory_space<vmem>>
    %dma_wait3A_93 = arith.constant 0 : i32
    %dma_wait3A_94 = tpu.memref_slice %arg7[%dma_wait3A_86, %dma_wait3A_87, %dma_wait3A_93] : memref<128x2x104xi32, #tpu.memory_space<vmem>> -> memref<1x1x104xi32, #tpu.memory_space<vmem>>
    %dma_wait3A_95 = tpu.memref_squeeze %dma_wait3A_94 : memref<1x1x104xi32, #tpu.memory_space<vmem>> -> memref<104xi32, #tpu.memory_space<vmem>>
    %dma_wait3A_96 = arith.constant 0 : i32
    %dma_wait3A_97 = arith.constant 0 : i32
    %dma_wait3A_98 = tpu.memref_slice %arg2[%dma_wait3A_96, %dma_wait3A_97] : memref<1000000x8xf32, #tpu.memory_space<hbm>> -> memref<1000000x8xf32, #tpu.memory_space<hbm>>
    tpu.wait_indirect_dma semaphore(%arg12 : memref<!tpu.dma_semaphore, #tpu.memory_space<semaphore_mem>>) src(%dma_wait3A_98 : memref<1000000x8xf32, #tpu.memory_space<hbm>>) dst(%dma_wait3A_92 : memref<104x8xf32, #tpu.memory_space<vmem>>)
    %dma_wait3A_99 = arith.constant 127 : i32
    %dma_wait3A_100 = arith.constant 1 : i32
    %dma_wait3A_101 = arith.constant 1 : i32
    %dma_wait3A_102 = arith.constant 104 : i32
    %dma_wait3A_103 = arith.constant 0 : i32
    %dma_wait3A_104 = tpu.memref_slice %arg9[%dma_wait3A_101, %dma_wait3A_102, %dma_wait3A_103] : memref<2x208x8xf32, #tpu.memory_space<vmem>> -> memref<1x104x8xf32, #tpu.memory_space<vmem>>
    %dma_wait3A_105 = tpu.memref_squeeze %dma_wait3A_104 : memref<1x104x8xf32, #tpu.memory_space<vmem>> -> memref<104x8xf32, #tpu.memory_space<vmem>>
    %dma_wait3A_106 = arith.constant 0 : i32
    %dma_wait3A_107 = tpu.memref_slice %arg7[%dma_wait3A_99, %dma_wait3A_100, %dma_wait3A_106] : memref<128x2x104xi32, #tpu.memory_space<vmem>> -> memref<1x1x104xi32, #tpu.memory_space<vmem>>
    %dma_wait3A_108 = tpu.memref_squeeze %dma_wait3A_107 : memref<1x1x104xi32, #tpu.memory_space<vmem>> -> memref<104xi32, #tpu.memory_space<vmem>>
    %dma_wait3A_109 = arith.constant 0 : i32
    %dma_wait3A_110 = arith.constant 0 : i32
    %dma_wait3A_111 = tpu.memref_slice %arg2[%dma_wait3A_109, %dma_wait3A_110] : memref<1000000x8xf32, #tpu.memory_space<hbm>> -> memref<1000000x8xf32, #tpu.memory_space<hbm>>
    tpu.wait_indirect_dma semaphore(%arg12 : memref<!tpu.dma_semaphore, #tpu.memory_space<semaphore_mem>>) src(%dma_wait3A_111 : memref<1000000x8xf32, #tpu.memory_space<hbm>>) dst(%dma_wait3A_105 : memref<104x8xf32, #tpu.memory_space<vmem>>)
    %mul3A_112 = arith.constant 128 : i32
    %mul3A_113 = arith.muli %arg1, %mul3A_112 : i32
    "tpu.region"() ({
      %run_scoped3A = tpu.sem_alloc : memref<!tpu.dma_semaphore, #tpu.memory_space<semaphore_mem>>
      %dma_start3A_114 = arith.constant 0 : i32
      %dma_start3A_115 = tpu.memref_slice %arg6[%mul3A_2, %dma_start3A_114] : memref<4096x8xf32, #tpu.memory_space<hbm>> -> memref<128x8xf32, #tpu.memory_space<hbm>>
      %dma_start3A_116 = arith.constant 0 : i32
      %dma_start3A_117 = tpu.memref_slice %arg10[%mul3A_113, %dma_start3A_116] : memref<2056x8xf32, #tpu.memory_space<vmem_shared>> -> memref<128x8xf32, #tpu.memory_space<vmem_shared>>
      tpu.enqueue_dma source(%dma_start3A_117 : memref<128x8xf32, #tpu.memory_space<vmem_shared>>) target(%dma_start3A_115 : memref<128x8xf32, #tpu.memory_space<hbm>>) target_semaphore(%run_scoped3A : memref<!tpu.dma_semaphore, #tpu.memory_space<semaphore_mem>>)
      %dma_wait3A_118 = arith.constant 0 : i32
      %dma_wait3A_119 = tpu.memref_slice %arg6[%mul3A_2, %dma_wait3A_118] : memref<4096x8xf32, #tpu.memory_space<hbm>> -> memref<128x8xf32, #tpu.memory_space<hbm>>
      %dma_wait3A_120 = arith.constant 0 : i32
      %dma_wait3A_121 = tpu.memref_slice %arg10[%mul3A_113, %dma_wait3A_120] : memref<2056x8xf32, #tpu.memory_space<vmem_shared>> -> memref<128x8xf32, #tpu.memory_space<vmem_shared>>
      tpu.wait_dma2 semaphore(%run_scoped3A : memref<!tpu.dma_semaphore, #tpu.memory_space<semaphore_mem>>) src(%dma_wait3A_121 : memref<128x8xf32, #tpu.memory_space<vmem_shared>>) dst(%dma_wait3A_119 : memref<128x8xf32, #tpu.memory_space<hbm>>)
      tpu.yield
    }) : () -> ()
    return
  }
}

module attributes {stable_mosaic.version = 14 : i64} {
  func.func @_proj_body(%arg0: i32, %arg1: memref<512x16x64xf32, #tpu.memory_space<vmem>>, %arg2: memref<1024x128xf32, #tpu.memory_space<vmem>>, %arg3: memref<512x128xf32, #tpu.memory_space<vmem>>) attributes {dimension_semantics = [#tpu.dimension_semantics<arbitrary>], iteration_bounds = array<i64: 123>, scalar_prefetch = 0 : i64, scratch_operands = 0 : i64, tpu.core_type = #tpu.core_type<tc>, window_params = [{transform_indices = @transform_0, window_bounds = array<i64: 512, 16, 64>}, {pipeline_mode = #tpu.pipeline_mode<synchronous>, transform_indices = @transform_1, window_bounds = array<i64: 1024, 128>}, {transform_indices = @transform_2, window_bounds = array<i64: 512, 128>}]} {
    %get3A = arith.constant 0 : index
    %get3A_0 = arith.constant 0 : index
    %get3A_1 = arith.constant 0 : index
    %get3A_2 = vector.load %arg1[%get3A, %get3A_0, %get3A_1] : memref<512x16x64xf32, #tpu.memory_space<vmem>>, vector<512x16x64xf32>
    %reshape3A = vector.shape_cast %get3A_2 : vector<512x16x64xf32> to vector<512x1024xf32>
    %get3A_3 = arith.constant 0 : index
    %get3A_4 = arith.constant 0 : index
    %get3A_5 = vector.load %arg2[%get3A_3, %get3A_4] : memref<1024x128xf32, #tpu.memory_space<vmem>>, vector<1024x128xf32>
    %dot_general3A = arith.constant dense<0.000000e+00> : vector<512x128xf32>
    %dot_general3A_6 = tpu.matmul %reshape3A, %get3A_5, %dot_general3A {dimension_numbers = #tpu.dot_dimension_numbers<[1], [0], [0], [1], [0, 0, 1, 1], [], []>, transpose_lhs_hint = false} : vector<512x1024xf32>, vector<1024x128xf32>, vector<512x128xf32> -> vector<512x128xf32>
    %swap3A = arith.constant 0 : index
    %swap3A_7 = arith.constant 0 : index
    %swap3A_8 = vector.load %arg3[%swap3A, %swap3A_7] : memref<512x128xf32, #tpu.memory_space<vmem>>, vector<512x128xf32>
    tpu.vector_store %arg3[%swap3A, %swap3A_7], %dot_general3A_6 {strides = array<i32>} : memref<512x128xf32, #tpu.memory_space<vmem>>, vector<512x128xf32>,
    return
  }
  func.func @transform_0(%arg0: i32) -> (i32, i32, i32) {
    %c0_i32 = arith.constant 0 : i32
    %c0_i32_0 = arith.constant 0 : i32
    %c0_i32_1 = arith.constant 0 : i32
    return %arg0, %c0_i32, %c0_i32_0 : i32, i32, i32
  }
  func.func @transform_1(%arg0: i32) -> (i32, i32) {
    %c0_i32 = arith.constant 0 : i32
    %c0_i32_0 = arith.constant 0 : i32
    %c0_i32_1 = arith.constant 0 : i32
    return %c0_i32, %c0_i32_0 : i32, i32
  }
  func.func @transform_2(%arg0: i32) -> (i32, i32) {
    %c0_i32 = arith.constant 0 : i32
    %c0_i32_0 = arith.constant 0 : i32
    return %arg0, %c0_i32 : i32, i32
  }
}

</mosaic_0001>

<sc_bundles>
// kernel: kernel.4.cloned.1.call-start
scs
__scs_entry_jumppad:
0x0: {  	(pc) =	sbr.rel $0x88, $3  }
0x1: {  	(tag) =	ssettag $0x0;
	lr =	simm.s32 $0x1  }
0x2: {  	[smem:$0x3F9D] =	sst lr;
	_ =	strace $0xD0000000  }
0x3: {  	_ = 	snop  }
0x4: {  	_ = 	snop  }
0x5: {  	_ = 	snop  }
0x6: {  	_ = 	snop  }
0x7: {  	_ = 	snop  }
__scs_overlays_trampoline_lowered:
0x8: {  	[smem:$0x3FAC] =	sst s0  }
0x9: {  	[smem:$0x3FAD] =	sst s1  }
0xa: {  	[smem:$0x3FAE] =	sst s2  }
0xb: {  	[smem:$0x3FAF] =	sst s3  }
0xc: {  	[smem:$0x3FB0] =	sst s4  }
0xd: {  	[smem:$0x3FB1] =	sst s5  }
0xe: {  	[smem:$0x3FB2] =	sst s6  }
0xf: {  	[smem:$0x3FB3] =	sst s7  }
0x10: {  	[smem:$0x3FB4] =	sst s8  }
0x11: {  	[smem:$0x3FB5] =	sst s9;
	s0 =	simm.s32 @!p0 $0x0  }
0x12: {  	s1 =	sld [smem:$0x3F9B];
	s0 =	simm.s32 @p0 $0x1  }
0x13: {  	[smem:$0x3FB6] =	sst s0;
	s0 =	simm.s32 @!p1 $0x0  }
0x14: {  	s2 =	sld [smem:$0x3F9A];
	s0 =	simm.s32 @p1 $0x1  }
0x15: {  	[smem:$0x3FB7] =	sst s0;
	s0 =	simm.s32 @!p2 $0x0  }
0x16: {  	s3 =	sld [smem:$0x3FDB];
	s0 =	simm.s32 @p2 $0x1  }
0x17: {  	s4 =	simm.s32 $0x1BF5;
	[smem:$0x3FB9] =	sst s0  }
0x18: {  	s0 =	sld [smem:$0x3F9C];
	_ =	swait.ge [sflag:s4], $0x0  }
0x19: {  	s7 =	sld [smem:$0x3F9D]  }
0x1a: {  	s8 =	sadd.s32 $0xFFFFE003, lr  }
0x1b: {  	s9 =	sadd.s32 $0xFFFFFEF7, lr;
	s5 =	simm.s32 $0xFFFFFFFF;
	p2 =	slt.u32 s8, $0xFFFFF086  }
0x1c: {  	p1 =	slt.u32 s9, $0xF7A;
	s5 =	simm.s32 @!p2 $0x0  }
0x1d: {  	s5 =	simm.s32 @p1 $0x1;
	p0 =	seq.s32 s7, s2  }
0x1e: {  	s7 =	smul.u32 @!p0 $0xF7A, s2;
	p2 =	seq.s32 @!p0 s5, $0x0  }
0x1f: {  	s9 =	smul.u32 $0xF7A, s1;
	s8 =	simm.s32 @!p0 $0x1BF5;
	p2 =	por !p2, p0  }
0x20: {  	[sflag:s8] =	ssyncset.s32 @!p0 $0xFFFFF086;
	s6 =	sadd.s32 @!p0 s3, s7;
	s7 =	simm.s32 @!p0 $0x108  }
0x21: {  	s3 =	sadd.s32 s3, s9;
	s6 =	sadd.s32 @!p0 $0x88, s6;
	s7 =	simm.s32 @p2 $0x1082  }
0x22: {  	[simem:s7], [sflag:s8] =	dma.local @!p0 [hbm:s6], $0xF7A  }
0x23: {  	s9 =	sor.u32 $0xD0000000, s2;
	s6 =	simm.s32 $0x108;
	_ =	swait.ge @!p0 [sflag:s8], $0x0  }
0x24: {  	s3 =	sadd.s32 $0x88, s3;
	s6 =	simm.s32 @!p1 $0x1082;
	[sflag:s4] =	ssyncset.s32 $0xFFFFF086  }
0x25: {  	[simem:s6], [sflag:s4] =	dma.local [hbm:s3], $0xF7A  }
0x26: {  	[smem:$0x3F9D] =	sst s1;
	(tag) =	ssettag s2;
	_ =	strace s9  }
0x27: {  	s1 =	sld [smem:$0x3FAD]  }
0x28: {  	s2 =	sld [smem:$0x3FAE]  }
0x29: {  	s4 =	sld [smem:$0x3FB0]  }
0x2a: {  	p0 =	seq.s32 s5, $0x0;
	s5 =	sld [smem:$0x3FB1]  }
0x2b: {  	s6 =	sld [smem:$0x3FB2]  }
0x2c: {  	s7 =	sld [smem:$0x3FB3]  }
0x2d: {  	s3 =	simm.s32 $0x108;
	s8 =	sld [smem:$0x3FB4]  }
0x2e: {  	s3 =	simm.s32 @!p0 $0x1082;
	s9 =	sld [smem:$0x3FB5]  }
0x2f: {  	lr =	sadd.s32 s0, s3;
	s0 =	sld [smem:$0x3FAC]  }
0x30: {  	s3 =	sld [smem:$0x3FAF]  }
0x31: {  	[smem:$0x3FB8] =	sst s10  }
0x32: {  	s10 =	sld [smem:$0x3FB6];
	_ =	sdelay $0x3  }
0x33: {  	p0 =	seq.s32 s10, $0x1;
	s10 =	sld [smem:$0x3FB8];
	_ =	sdelay $0x3  }
0x34: {  	[smem:$0x3FB8] =	sst s10  }
0x35: {  	s10 =	sld [smem:$0x3FB7];
	_ =	sdelay $0x3  }
0x36: {  	p1 =	seq.s32 s10, $0x1;
	s10 =	sld [smem:$0x3FB8];
	_ =	sdelay $0x3  }
0x37: {  	[smem:$0x3FB8] =	sst s10  }
0x38: {  	s10 =	sld [smem:$0x3FB9]  }
0x39: {  	_ = 	snop;
	(pc) =	sbr.ind lr, $3  }
0x3a: {  	_ = 	snop  }
0x3b: {  	_ = 	snop  }
0x3c: {  	p2 =	seq.s32 s10, $0x1;
	s10 =	sld [smem:$0x3FB8]  }
0x3d: {  	_ =	shalt  }
0x3e: {  	_ =	shalt  }
0x3f: {  	_ =	shalt  }
0x40: {  	_ =	shalt  }
0x41: {  	_ =	shalt  }
0x42: {  	_ =	shalt  }
0x43: {  	_ =	shalt  }
0x44: {  	_ =	shalt  }
0x45: {  	_ =	shalt  }
0x46: {  	_ =	shalt  }
0x47: {  	_ =	shalt  }
0x48: {  	_ =	shalt  }
0x49: {  	_ =	shalt  }
0x4a: {  	_ =	shalt  }
0x4b: {  	_ =	shalt  }
0x4c: {  	_ =	shalt  }
0x4d: {  	_ =	shalt  }
0x4e: {  	_ =	shalt  }
0x4f: {  	_ =	shalt  }
0x50: {  	_ =	shalt  }
0x51: {  	_ =	shalt  }
0x52: {  	_ =	shalt  }
0x53: {  	_ =	shalt  }
0x54: {  	_ =	shalt  }
0x55: {  	_ =	shalt  }
0x56: {  	_ =	shalt  }
0x57: {  	_ =	shalt  }
0x58: {  	_ =	shalt  }
0x59: {  	_ =	shalt  }
0x5a: {  	_ =	shalt  }
0x5b: {  	_ =	shalt  }
0x5c: {  	_ =	shalt  }
0x5d: {  	_ =	shalt  }
0x5e: {  	_ =	shalt  }
0x5f: {  	_ =	shalt  }
0x60: {  	_ =	shalt  }
0x61: {  	_ =	shalt  }
0x62: {  	_ =	shalt  }
0x63: {  	_ =	shalt  }
0x64: {  	_ =	shalt  }
0x65: {  	_ =	shalt  }
0x66: {  	_ =	shalt  }
0x67: {  	_ =	shalt  }
0x68: {  	_ =	shalt  }
0x69: {  	_ =	shalt  }
0x6a: {  	_ =	shalt  }
0x6b: {  	_ =	shalt  }
0x6c: {  	_ =	shalt  }
0x6d: {  	_ =	shalt  }
0x6e: {  	_ =	shalt  }
0x6f: {  	_ =	shalt  }
0x70: {  	_ =	shalt  }
0x71: {  	_ =	shalt  }
0x72: {  	_ =	shalt  }
0x73: {  	_ =	shalt  }
0x74: {  	_ =	shalt  }
0x75: {  	_ =	shalt  }
0x76: {  	_ =	shalt  }
0x77: {  	_ =	shalt  }
0x78: {  	_ =	shalt  }
0x79: {  	_ =	shalt  }
0x7a: {  	_ =	shalt  }
0x7b: {  	_ =	shalt  }
0x7c: {  	_ =	shalt  }
0x7d: {  	_ =	shalt  }
0x7e: {  	_ =	shalt  }
0x7f: {  	_ =	shalt  }
0x80: {  	_ =	shalt  }
0x81: {  	_ =	shalt  }
0x82: {  	_ =	shalt  }
0x83: {  	_ =	shalt  }
0x84: {  	_ =	shalt  }
0x85: {  	_ =	shalt  }
0x86: {  	_ =	shalt  }
0x87: {  	_ =	shalt  }
.Lfunc_end0:
.L_simem_size_0:
called_computation_lowered:
.L_overlay_start_0:
0x88: {  	s2 =	sld [smem:$0x3FD9]  }
0x89: {  	s3 =	sld [smem:$0x3FFE];
	_ =	sdelay $0x1  }
0x8a: {  	s1 =	srdreg.scid  }
0x8b: {  	s0 =	sand.u32 $0x1, s1  }
0x8c: {  	s17 =	sshll.u32 s0, $0xA;
	s2 =	sadd.s32 s3, s2  }
0x8d: {  	s2 =	sadd.s32 s2, s17  }
0x8e: {  	[smem:$0x3FC4] =	sst s2  }
0x8f: {  	_ = 	snop  }
0x90: {  	s2 =	sld [smem:$0x3FD0];
	(tm) =	ssettm $0x1  }
0x91: {  	s18 =	sld [smem:$0x3FFB];
	_ =	sdelay $0x3  }
0x92: {  	_ =	strace s18  }
0x93: {  	s3 =	sld [smem:$0x3FFC];
	_ =	sdelay $0x3  }
0x94: {  	_ =	strace s3  }
0x95: {  	s3 =	sld [smem:$0x3FFD];
	_ =	sdelay $0x3  }
0x96: {  	_ =	strace s3  }
0x97: {  	_ =	strace $0x8FFFFFFF  }
0x98: {  	s19 =	sld [smem:$0x3FDB];
	_ =	sdelay $0x1  }
0x99: {  	s4 =	simm.s32 $_scs_section_size  }
0x9a: {  	s5 =	simm.s32 $_size__tile_overlayer_lowered;
	s6 =	simm.s32 $_tile_overlayer_lowered  }
0x9b: {  	s22 =	simm.s32 $0x1BFF;
	s21 =	sshll.u32 s6, $0x1;
	s3 =	sadd.s32 s4, s19  }
0x9c: {  	s7 =	simm.s32 $0x0;
	s20 =	sshll.u32 s5, $0x1;
	s5 =	sadd.s32 s21, s3  }
0x9d: {  	[timem:s7], [sflag:s22] =	dma.local [hbm:s5], s20  }
0x9e: {  	_ =	swait.ge [sflag:s22], s20  }
0x9f: {  	s4 =	ssub.s32 $0x0, s20;
	[sflag:s22] =	ssyncset.done $0x0  }
0xa0: {  	[sflag:s22] =	ssyncadd.s32 s4;
	_ =	sdelay $0x1  }
0xa1: {  	s23 =	simm.s32 $0x1B8B  }
0xa2: {  	_ =	swait.ge [sflag:s23], $0x1  }
0xa3: {  	[sflag:s23] =	ssyncset.done $0x0  }
0xa4: {  	s25 =	simm.s32 $0x1B8E;
	s24 =	sld [smem:$0x3FFE];
	[sflag:s23] =	ssyncadd.s32 $0xFFFFFFFF  }
0xa5: {  	s26 =	simm.s32 $execute0_lowered;
	[smem:$0x3FD2] =	sst s25  }
0xa6: {  	s5 =	sshll.u32 s26, $0x1;
	_ =	strace $0x80000046;
	[dreg:$0x1] =	wrdreg $0xFFFFFFFF  }
0xa7: {  	s28 =	simm.s32 $_size_execute0_lowered;
	s3 =	sadd.s32 s3, s5;
	[dreg:$0x0] =	wrdreg $0x0  }
0xa8: {  	s5 =	sshll.u32 s28, $0x1;
	[dreg:$0x2] =	wrdreg s3  }
0xa9: {  	[dreg:$0x3] =	wrdreg s5  }
0xaa: {  	[dreg:$0x4] =	wrdreg $0xC0  }
0xab: {  	_ =	task [dreg:s7], $0x5FFFF  }
0xac: {  	[dreg:$0x1] =	wrdreg $0xFFFFFFFF  }
0xad: {  	[dreg:$0x0] =	wrdreg $0x60  }
0xae: {  	[dreg:$0x2] =	wrdreg s24  }
0xaf: {  	[dreg:$0x3] =	wrdreg s2  }
0xb0: {  	[dreg:$0x4] =	wrdreg $0xDD000  }
0xb1: {  	[dreg:$0x5] =	wrdreg $0x9  }
0xb2: {  	_ =	task.clear_ibuf [dreg:s7], $0x6FFFF;
	_ =	strace $0x90000046  }
0xb3: {  	s29 =	simm.s32 $0x9;
	_ =	strace $0x80000048  }
0xb4: {  	_ =	swait.ge [sflag:s29], $0x1  }
0xb5: {  	[sflag:s29] =	ssyncadd.s32 $0xFFFFFFFF  }
0xb6: {  	_ =	strace $0x90000048  }
0xb7: {  	_ =	sfence  }
0xb8: {  	s30 =	sld [smem:$0x0];
	_ =	sdelay $0x2  }
0xb9: {  	s31 =	sshll.u32 s1, $0xD;
	s1 =	sshrl.u32 s1, $0x2  }
0xba: {  	s3 =	sand.u32 $0x4000, s31;
	s1 =	sadd.s32 s1, s30  }
0xbb: {  	s0 =	sor.u32 s3, s0;
	s1 =	sshll.u32 s1, $0x11  }
0xbc: {  	s0 =	sor.u32 s1, s0  }
0xbd: {  	s0 =	sadd.s32 $0x8F2B, s0  }
0xbe: {  	[sflag:s0] =	ssyncadd.remote.s32 $0x1  }
0xbf: {  	_ =	sfence.sel $0xFFFF  }
0xc0: {  	[dreg:$0x0] =	wrdreg $0xFFFFFFFF;
	(pc) =	sbr.abs _section_cstart, $3  }
0xc1: {  	[dreg:$0x1] =	wrdreg $0xFFFFFFFF  }
0xc2: {  	_ =	task.clear_ibuf [dreg:s7], $0x2FFFF;
	_ =	strace $0x9FFFFFFF  }
0xc3: {  	(tm) =	ssettm $0x7FFFFFFF  }
tec
execute0_lowered:
.L_overlay_start_1:
0x0: {  	(tag) =	ssettag $0x1  }
0x1: {  	s0 =	rddreg [dreg:$0x0];
	s1 =	srdreg.scid  }
0x2: {  	s10 =	stileid.u32;
	s3 =	rddreg [dreg:$0x2]  }
0x3: {  	s4 =	simm.s32 $0x0;
	s14 =	simm.s32 $0x68;
	s15 =	simm.s32 $0xD000  }
0x4: {  	s16 =	simm.s32 $0xD340;
	s18 =	simm.s32 $0xD680;
	s20 =	simm.s32 $0xD9C0  }
0x5: {  	s21 =	simm.s32 $0x1;
	s22 =	simm.s32 $0x3;
	s23 =	simm.s32 $0x2  }
0x6: {  	s28 =	simm.s32 $0x6730;
	s29 =	simm.s32 $0x6798;
	s30 =	simm.s32 $0xCE60  }
0x7: {  	s31 =	simm.s32 $0xCEC8;
	s1 =	sand.u32 $0x1, s1;
	s2 =	sshll.u32 s10, $0x8  }
0x8: {  	[smem:$0x7FF] =	sst s4;
	s25 =	sshll.u32 s10, $0xA;
	s26 =	sshll.u32 s10, $0x6  }
0x9: {  	s10 =	simm.s32 $0x5;
	s5 =	sshll.u32 s1, $0x7;
	_ =	strace $0x80000047  }
0xa: {  	s1 =	ssub.s32 $0x2, s1;
	s12 =	sor.u32 $0x1C05, s26;
	s2 =	sor.u32 s5, s2  }
0xb: {  	s26 =	simm.s32 $0x66C8;
	s24 =	sshrl.u32 s1, $0x1;
	s6 =	smul.u32 $0x1A, s2  }
0xc: {  	s5 =	sadd.s32 $0xF77600, s0;
	s1 =	ssub.s32 s1, s24;
	s24 =	simm.s32 $0x4  }
0xd: {  	s9 =	smax.u32 s1, $0x1;
	s1 =	simm.s32 $0xCF30;
	s7 =	sadd.s32 s6, s0  }
0xe: {  	s0 =	sadd.s32 s2, s0;
	s2 =	sadd.s32 s25, s3;
	s6 =	sadd.s32 $0xF43600, s7  }
0xf: {  	s25 =	simm.s32 $0x6660;
	s7 =	sadd.s32 $0xF5D600, s7;
	s8 =	sadd.s32 $0xC00, s0  }
0x10: {  	s13 =	sshrl.u32 s2, $0x3;
	s0 =	simm.s32 $0xCF98;
	s2 =	simm.s32 $0x0  }
.LBB2_1:
0x11: {  	[tilespmem:s4], [sflag:$0x5] =	stream.linear.gather [hbm4b:s6+s4], $0x6800, $0x38;
	[tilespmem:$0xE108] =	vst v63  }
0x12: {  	_ =	swait.ge [sflag:s10], $0x6800  }
0x13: {  	[sflag:s10] =	ssyncset.done $0x0  }
0x14: {  	s11 =	simm.s32 $0x6800;
	[sflag:s10] =	ssyncadd.s32 $0xFFFF9800  }
0x15: {  	[tilespmem:s11], [sflag:$0x5] =	stream.linear.gather [hbm4b:s7+s4], $0x6800, $0x38;
	[tilespmem:$0xE108] =	vst v63  }
0x16: {  	_ =	swait.ge [sflag:s10], $0x6800  }
0x17: {  	[sflag:s10] =	ssyncset.done $0x0  }
0x18: {  	[sflag:s10] =	ssyncadd.s32 $0xFFFF9800  }
0x19: {  	s17 =	rddreg [dreg:$0x1]  }
0x1a: {  	[spmem:s13], [sflag:s12] =	dma.local [hbm:s17], $0x80  }
0x1b: {  	_ =	swait.ge [sflag:s10], $0x80  }
0x1c: {  	[sflag:s10] =	ssyncset.done $0x0  }
0x1d: {  	[sflag:s10] =	ssyncadd.s32 $0xFFFFFF80  }
0x1e: {  	[tilespmem:s15], [sflag:$0x1] =	stream.indirect.gather [hbm4b:s5+s14], $0x8, s4, s14, $0xb8;
	[tilespmem:$0xE108] =	vst v63  }
0x1f: {  	_ = 	snop  }
0x20: {  	[tilespmem:s16], [sflag:$0x1] =	stream.indirect.gather [hbm4b:s5+s14], $0x8, s14, s14, $0xb8;
	[tilespmem:$0xE108] =	vst v63  }
0x21: {  	s19 =	simm.s32 $0xD0  }
0x22: {  	[tilespmem:s18], [sflag:$0x2] =	stream.indirect.gather [hbm4b:s5+s14], $0x8, s19, s14, $0xb8;
	[tilespmem:$0xE108] =	vst v63  }
0x23: {  	s17 =	simm.s32 $0x138  }
0x24: {  	[tilespmem:s20], [sflag:$0x2] =	stream.indirect.gather [hbm4b:s5+s14], $0x8, s17, s14, $0xb8;
	[tilespmem:$0xE108] =	vst v63  }
0x25: {  	_ =	swait.ge [sflag:s21], $0x340  }
0x26: {  	[sflag:s21] =	ssyncset.done $0x0  }
0x27: {  	[sflag:s21] =	ssyncadd.s32 $0xFFFFFCC0  }
0x28: {  	_ =	swait.ge [sflag:s21], $0x340  }
0x29: {  	[sflag:s21] =	ssyncset.done $0x0  }
0x2a: {  	s19 =	simm.s32 $0x6800;
	[sflag:s21] =	ssyncadd.s32 $0xFFFFFCC0  }
0x2b: {  	[spmem:s3] =	stream.indirect.scatter.add.f32 [tilespmem:s15], [sflag:$0x3], $0x8, s19, s14, $0xb8;
	[tilespmem:$0xE108] =	vst v63  }
0x2c: {  	s17 =	simm.s32 $0x6868  }
0x2d: {  	[spmem:s3] =	stream.indirect.scatter.add.f32 [tilespmem:s16], [sflag:$0x3], $0x8, s17, s14, $0xb8;
	[tilespmem:$0xE108] =	vst v63  }
0x2e: {  	_ =	swait.ge [sflag:s22], $0x340  }
0x2f: {  	[sflag:s22] =	ssyncset.done $0x0  }
0x30: {  	[sflag:s22] =	ssyncadd.s32 $0xFFFFFCC0  }
0x31: {  	_ =	swait.ge [sflag:s22], $0x340  }
0x32: {  	[sflag:s22] =	ssyncset.done $0x0  }
0x33: {  	s19 =	simm.s32 $0x1A0;
	[sflag:s22] =	ssyncadd.s32 $0xFFFFFCC0  }
0x34: {  	[tilespmem:s15], [sflag:$0x1] =	stream.indirect.gather [hbm4b:s5+s14], $0x8, s19, s14, $0xb8;
	[tilespmem:$0xE108] =	vst v63  }
0x35: {  	s17 =	simm.s32 $0x208  }
0x36: {  	[tilespmem:s16], [sflag:$0x1] =	stream.indirect.gather [hbm4b:s5+s14], $0x8, s17, s14, $0xb8;
	[tilespmem:$0xE108] =	vst v63  }
0x37: {  	_ =	swait.ge [sflag:s23], $0x340  }
0x38: {  	[sflag:s23] =	ssyncset.done $0x0  }
0x39: {  	[sflag:s23] =	ssyncadd.s32 $0xFFFFFCC0  }
0x3a: {  	_ =	swait.ge [sflag:s23], $0x340  }
0x3b: {  	[sflag:s23] =	ssyncset.done $0x0  }
0x3c: {  	s19 =	simm.s32 $0x68D0;
	[sflag:s23] =	ssyncadd.s32 $0xFFFFFCC0  }
0x3d: {  	[spmem:s3] =	stream.indirect.scatter.add.f32 [tilespmem:s18], [sflag:$0x4], $0x8, s19, s14, $0xb8;
	[tilespmem:$0xE108] =	vst v63  }
0x3e: {  	s17 =	simm.s32 $0x6938  }
0x3f: {  	[spmem:s3] =	stream.indirect.scatter.add.f32 [tilespmem:s20], [sflag:$0x4], $0x8, s17, s14, $0xb8;
	[tilespmem:$0xE108] =	vst v63  }
0x40: {  	_ =	swait.ge [sflag:s24], $0x340  }
0x41: {  	[sflag:s24] =	ssyncset.done $0x0  }
0x42: {  	[sflag:s24] =	ssyncadd.s32 $0xFFFFFCC0  }
0x43: {  	_ =	swait.ge [sflag:s24], $0x340  }
0x44: {  	s11 =	simm.s32 $0x680;
	[sflag:s24] =	ssyncset.done $0x0  }
0x45: {  	s19 =	simm.s32 $0x270;
	s17 =	simm.s32 $0x2D8;
	[sflag:s24] =	ssyncadd.s32 $0xFFFFFCC0  }
0x46: {  	[tilespmem:s18], [sflag:$0x2] =	stream.indirect.gather [hbm4b:s5+s14], $0x8, s19, s14, $0xb8;
	[tilespmem:$0xE108] =	vst v63  }
.LBB2_2:
0x47: {  	[tilespmem:s20], [sflag:$0x2] =	stream.indirect.gather [hbm4b:s5+s14], $0x8, s17, s14, $0xb8;
	[tilespmem:$0xE108] =	vst v63  }
0x48: {  	s17 =	smov.u32 s11;
	s11 =	sadd.s32 $0x680, s11;
	_ =	swait.ge [sflag:s21], $0x340  }
0x49: {  	p0 =	sne.s32 s11, $0x19300;
	[sflag:s21] =	ssyncset.done $0x0  }
0x4a: {  	[sflag:s21] =	ssyncadd.s32 $0xFFFFFCC0  }
0x4b: {  	_ =	swait.ge [sflag:s21], $0x340  }
0x4c: {  	s17 =	sshra.s32 s17, $0x2;
	[sflag:s21] =	ssyncset.done $0x0  }
0x4d: {  	s19 =	sadd.s32 $0x6800, s17;
	[sflag:s21] =	ssyncadd.s32 $0xFFFFFCC0  }
0x4e: {  	[spmem:s3] =	stream.indirect.scatter.add.f32 [tilespmem:s15], [sflag:$0x3], $0x8, s19, s14, $0xb8;
	[tilespmem:$0xE108] =	vst v63  }
0x4f: {  	s19 =	sadd.s32 $0x6868, s17  }
0x50: {  	[spmem:s3] =	stream.indirect.scatter.add.f32 [tilespmem:s16], [sflag:$0x3], $0x8, s19, s14, $0xb8;
	[tilespmem:$0xE108] =	vst v63  }
0x51: {  	_ =	swait.ge [sflag:s22], $0x340  }
0x52: {  	[sflag:s22] =	ssyncset.done $0x0  }
0x53: {  	[sflag:s22] =	ssyncadd.s32 $0xFFFFFCC0  }
0x54: {  	_ =	swait.ge [sflag:s22], $0x340  }
0x55: {  	[sflag:s22] =	ssyncset.done $0x0  }
0x56: {  	s19 =	sadd.s32 $0x1A0, s17;
	[sflag:s22] =	ssyncadd.s32 $0xFFFFFCC0  }
0x57: {  	[tilespmem:s15], [sflag:$0x1] =	stream.indirect.gather [hbm4b:s5+s14], $0x8, s19, s14, $0xb8;
	[tilespmem:$0xE108] =	vst v63  }
0x58: {  	s19 =	sadd.s32 $0x208, s17  }
0x59: {  	[tilespmem:s16], [sflag:$0x1] =	stream.indirect.gather [hbm4b:s5+s14], $0x8, s19, s14, $0xb8;
	[tilespmem:$0xE108] =	vst v63  }
0x5a: {  	_ =	swait.ge [sflag:s23], $0x340  }
0x5b: {  	[sflag:s23] =	ssyncset.done $0x0  }
0x5c: {  	[sflag:s23] =	ssyncadd.s32 $0xFFFFFCC0  }
0x5d: {  	_ =	swait.ge [sflag:s23], $0x340  }
0x5e: {  	[sflag:s23] =	ssyncset.done $0x0  }
0x5f: {  	s19 =	sadd.s32 $0x68D0, s17;
	[sflag:s23] =	ssyncadd.s32 $0xFFFFFCC0  }
0x60: {  	[spmem:s3] =	stream.indirect.scatter.add.f32 [tilespmem:s18], [sflag:$0x4], $0x8, s19, s14, $0xb8;
	[tilespmem:$0xE108] =	vst v63  }
0x61: {  	s19 =	sadd.s32 $0x6938, s17  }
0x62: {  	[spmem:s3] =	stream.indirect.scatter.add.f32 [tilespmem:s20], [sflag:$0x4], $0x8, s19, s14, $0xb8;
	[tilespmem:$0xE108] =	vst v63  }
0x63: {  	_ =	swait.ge [sflag:s24], $0x340  }
0x64: {  	[sflag:s24] =	ssyncset.done $0x0  }
0x65: {  	[sflag:s24] =	ssyncadd.s32 $0xFFFFFCC0  }
.Ltmp0:
0x66: {  	_ =	swait.ge [sflag:s24], $0x340;
	(pc) =	sbr.rel @p0 .LBB2_2-.Ltmp0, $4  }
0x67: {  	[sflag:s24] =	ssyncset.done $0x0  }
0x68: {  	s19 =	sadd.s32 $0x270, s17;
	[sflag:s24] =	ssyncadd.s32 $0xFFFFFCC0  }
0x69: {  	[tilespmem:s18], [sflag:$0x2] =	stream.indirect.gather [hbm4b:s5+s14], $0x8, s19, s14, $0xb8;
	[tilespmem:$0xE108] =	vst v63  }
0x6a: {  	s17 =	sadd.s32 $0x2D8, s17  }
0x6b: {  	[tilespmem:s20], [sflag:$0x2] =	stream.indirect.gather [hbm4b:s5+s14], $0x8, s17, s14, $0xb8;
	[tilespmem:$0xE108] =	vst v63  }
0x6c: {  	_ =	swait.ge [sflag:s21], $0x340  }
0x6d: {  	[sflag:s21] =	ssyncset.done $0x0  }
0x6e: {  	[sflag:s21] =	ssyncadd.s32 $0xFFFFFCC0  }
0x6f: {  	_ =	swait.ge [sflag:s21], $0x340  }
0x70: {  	s11 =	sshra.s32 s11, $0x2;
	[sflag:s21] =	ssyncset.done $0x0  }
0x71: {  	s19 =	sadd.s32 $0x6800, s11;
	[sflag:s21] =	ssyncadd.s32 $0xFFFFFCC0  }
0x72: {  	[spmem:s3] =	stream.indirect.scatter.add.f32 [tilespmem:s15], [sflag:$0x3], $0x8, s19, s14, $0xb8;
	[tilespmem:$0xE108] =	vst v63  }
0x73: {  	s19 =	sadd.s32 $0x6868, s11  }
0x74: {  	[spmem:s3] =	stream.indirect.scatter.add.f32 [tilespmem:s16], [sflag:$0x3], $0x8, s19, s14, $0xb8;
	[tilespmem:$0xE108] =	vst v63  }
0x75: {  	_ =	swait.ge [sflag:s22], $0x340  }
0x76: {  	[sflag:s22] =	ssyncset.done $0x0  }
0x77: {  	[sflag:s22] =	ssyncadd.s32 $0xFFFFFCC0  }
0x78: {  	_ =	swait.ge [sflag:s22], $0x340  }
0x79: {  	[sflag:s22] =	ssyncset.done $0x0  }
0x7a: {  	[sflag:s22] =	ssyncadd.s32 $0xFFFFFCC0  }
0x7b: {  	[tilespmem:s15], [sflag:$0x1] =	stream.indirect.gather [hbm4b:s5+s14], $0x8, s25, s14, $0xb8;
	[tilespmem:$0xE108] =	vst v63  }
0x7c: {  	_ = 	snop  }
0x7d: {  	[tilespmem:s16], [sflag:$0x1] =	stream.indirect.gather [hbm4b:s5+s14], $0x8, s26, s14, $0xb8;
	[tilespmem:$0xE108] =	vst v63  }
0x7e: {  	_ =	swait.ge [sflag:s23], $0x340  }
0x7f: {  	[sflag:s23] =	ssyncset.done $0x0  }
0x80: {  	[sflag:s23] =	ssyncadd.s32 $0xFFFFFCC0  }
0x81: {  	_ =	swait.ge [sflag:s23], $0x340  }
0x82: {  	[sflag:s23] =	ssyncset.done $0x0  }
0x83: {  	s19 =	sadd.s32 $0x68D0, s11;
	[sflag:s23] =	ssyncadd.s32 $0xFFFFFCC0  }
0x84: {  	[spmem:s3] =	stream.indirect.scatter.add.f32 [tilespmem:s18], [sflag:$0x4], $0x8, s19, s14, $0xb8;
	[tilespmem:$0xE108] =	vst v63  }
0x85: {  	s11 =	sadd.s32 $0x6938, s11  }
0x86: {  	[spmem:s3] =	stream.indirect.scatter.add.f32 [tilespmem:s20], [sflag:$0x4], $0x8, s11, s14, $0xb8;
	[tilespmem:$0xE108] =	vst v63  }
0x87: {  	_ =	swait.ge [sflag:s24], $0x340  }
0x88: {  	[sflag:s24] =	ssyncset.done $0x0  }
0x89: {  	[sflag:s24] =	ssyncadd.s32 $0xFFFFFCC0  }
0x8a: {  	_ =	swait.ge [sflag:s24], $0x340  }
0x8b: {  	[sflag:s24] =	ssyncset.done $0x0  }
0x8c: {  	[sflag:s24] =	ssyncadd.s32 $0xFFFFFCC0  }
0x8d: {  	[tilespmem:s18], [sflag:$0x2] =	stream.indirect.gather [hbm4b:s5+s14], $0x8, s28, s14, $0xb8;
	[tilespmem:$0xE108] =	vst v63  }
0x8e: {  	_ = 	snop  }
0x8f: {  	[tilespmem:s20], [sflag:$0x2] =	stream.indirect.gather [hbm4b:s5+s14], $0x8, s29, s14, $0xb8;
	[tilespmem:$0xE108] =	vst v63  }
0x90: {  	_ =	swait.ge [sflag:s21], $0x340  }
0x91: {  	[sflag:s21] =	ssyncset.done $0x0  }
0x92: {  	[sflag:s21] =	ssyncadd.s32 $0xFFFFFCC0  }
0x93: {  	_ =	swait.ge [sflag:s21], $0x340  }
0x94: {  	[sflag:s21] =	ssyncset.done $0x0  }
0x95: {  	[sflag:s21] =	ssyncadd.s32 $0xFFFFFCC0  }
0x96: {  	[spmem:s3] =	stream.indirect.scatter.add.f32 [tilespmem:s15], [sflag:$0x3], $0x8, s30, s14, $0xb8;
	[tilespmem:$0xE108] =	vst v63  }
0x97: {  	_ = 	snop  }
0x98: {  	[spmem:s3] =	stream.indirect.scatter.add.f32 [tilespmem:s16], [sflag:$0x3], $0x8, s31, s14, $0xb8;
	[tilespmem:$0xE108] =	vst v63  }
0x99: {  	_ =	swait.ge [sflag:s22], $0x340  }
0x9a: {  	[sflag:s22] =	ssyncset.done $0x0  }
0x9b: {  	[sflag:s22] =	ssyncadd.s32 $0xFFFFFCC0  }
0x9c: {  	_ =	swait.ge [sflag:s22], $0x340  }
0x9d: {  	[sflag:s22] =	ssyncset.done $0x0  }
0x9e: {  	[sflag:s22] =	ssyncadd.s32 $0xFFFFFCC0  }
0x9f: {  	[tilespmem:s15], [sflag:$0x1] =	stream.indirect.gather [hbm4b:s5+s14], $0x8, s28, s14, $0xb8;
	[tilespmem:$0xE108] =	vst v63  }
0xa0: {  	_ = 	snop  }
0xa1: {  	[tilespmem:s16], [sflag:$0x1] =	stream.indirect.gather [hbm4b:s5+s14], $0x8, s29, s14, $0xb8;
	[tilespmem:$0xE108] =	vst v63  }
0xa2: {  	_ =	swait.ge [sflag:s23], $0x340  }
0xa3: {  	[sflag:s23] =	ssyncset.done $0x0  }
0xa4: {  	[sflag:s23] =	ssyncadd.s32 $0xFFFFFCC0  }
0xa5: {  	_ =	swait.ge [sflag:s23], $0x340  }
0xa6: {  	[sflag:s23] =	ssyncset.done $0x0  }
0xa7: {  	[sflag:s23] =	ssyncadd.s32 $0xFFFFFCC0  }
0xa8: {  	[spmem:s3] =	stream.indirect.scatter.add.f32 [tilespmem:s18], [sflag:$0x4], $0x8, s1, s14, $0xb8;
	[tilespmem:$0xE108] =	vst v63  }
0xa9: {  	_ = 	snop  }
0xaa: {  	[spmem:s3] =	stream.indirect.scatter.add.f32 [tilespmem:s20], [sflag:$0x4], $0x8, s0, s14, $0xb8;
	[tilespmem:$0xE108] =	vst v63  }
0xab: {  	_ =	swait.ge [sflag:s24], $0x340  }
0xac: {  	[sflag:s24] =	ssyncset.done $0x0  }
0xad: {  	[sflag:s24] =	ssyncadd.s32 $0xFFFFFCC0  }
0xae: {  	_ =	swait.ge [sflag:s24], $0x340  }
0xaf: {  	[sflag:s24] =	ssyncset.done $0x0  }
0xb0: {  	[sflag:s24] =	ssyncadd.s32 $0xFFFFFCC0  }
0xb1: {  	[tilespmem:s18], [sflag:$0x2] =	stream.indirect.gather [hbm4b:s5+s14], $0x8, s28, s14, $0xb8;
	[tilespmem:$0xE108] =	vst v63  }
0xb2: {  	_ = 	snop  }
0xb3: {  	[tilespmem:s20], [sflag:$0x2] =	stream.indirect.gather [hbm4b:s5+s14], $0x8, s29, s14, $0xb8;
	[tilespmem:$0xE108] =	vst v63  }
0xb4: {  	_ =	swait.ge [sflag:s21], $0x340  }
0xb5: {  	[sflag:s21] =	ssyncset.done $0x0  }
0xb6: {  	[sflag:s21] =	ssyncadd.s32 $0xFFFFFCC0  }
0xb7: {  	_ =	swait.ge [sflag:s21], $0x340  }
0xb8: {  	[sflag:s21] =	ssyncset.done $0x0  }
0xb9: {  	[sflag:s21] =	ssyncadd.s32 $0xFFFFFCC0  }
0xba: {  	_ =	swait.ge [sflag:s23], $0x340  }
0xbb: {  	[sflag:s23] =	ssyncset.done $0x0  }
0xbc: {  	[sflag:s23] =	ssyncadd.s32 $0xFFFFFCC0  }
0xbd: {  	s2 =	sadd.s32 $0x1, s2;
	_ =	swait.ge [sflag:s23], $0x340  }
0xbe: {  	p0 =	sne.s32 s2, s9;
	[sflag:s23] =	ssyncset.done $0x0  }
.Ltmp1:
0xbf: {  	[sflag:s23] =	ssyncadd.s32 $0xFFFFFCC0;
	(pc) =	sbr.rel @p0 .LBB2_1-.Ltmp1, $4  }
0xc0: {  	[hbm:s8], [sflag:s12] =	dma.local [spmem:s13], $0x80  }
0xc1: {  	_ =	swait.ge [sflag:s10], $0x80  }
0xc2: {  	[sflag:s10] =	ssyncset.done $0x0  }
0xc3: {  	[sflag:s10] =	ssyncadd.s32 $0xFFFFFF80  }
0xc4: {  	_ =	sfence.sel $0x180000  }
0xc5: {  	[bflag:$0x0] =	sbarrier.arrive $0xFFFF  }
0xc6: {  	_ =	strace $0x90000047  }
0xc7: {  	s0 =	stileid.u32;
	[bflag:$0x2] =	sbarrier.arrive $0xFFFF  }
0xc8: {  	p0 =	sne.s32 s0, $0x0;
	s0 =	rddreg [dreg:$0x3]  }
0xc9: {  	s0 =	sadd.s32 @!p0 $0x100000, s0  }
0xca: {  	[sflag:s0] =	ssyncadd.tile.s32 @!p0 $0x1;
	_ =	shalt  }
.Lfunc_end2:
_tile_overlayer_lowered:
.L_overlay_start_2:
0xcb: {  	(tag) =	ssettag $0x2  }
0xcc: {  	s0 =	rddreg [dreg:$0x0];
	s2 =	stileid.u32  }
0xcd: {  	s1 =	rddreg [dreg:$0x1];
	p0 =	sne.s32 s2, $0x0  }
0xce: {  	s3 =	rddreg [dreg:$0x2];
	[bflag:$0x3] =	sbarrier.arrive $0xFFFF;
	s2 =	simm.s32 @!p0 $0x1C05  }
0xcf: {  	[timem:s3], [sflag:s2] =	dma.local @!p0 [hbm:s0], s1  }
0xd0: {  	s0 =	simm.s32 @!p0 $0x5  }
0xd1: {  	_ =	swait.ge @!p0 [sflag:s0], s1  }
0xd2: {  	s1 =	ssub.s32 @!p0 $0x0, s1;
	[sflag:s0] =	ssyncset.done @!p0 $0x0  }
0xd3: {  	[sflag:s0] =	ssyncadd.s32 @!p0 s1  }
0xd4: {  	[bflag:$0x3] =	sbarrier.arrive $0xFFFF  }
0xd5: {  	_ =	shalt  }

</sc_bundles>
